<compile_context>
chip_gen: v7x
topology: tpu7x:2x2x1
jax: 0.10.2.dev20260603
libtpu: 0.0.44.dev20260713+nightly
codegen_flags: <defaults>
</compile_context>

<pallas_src>
import dataclasses
import functools

import jax
import jax.numpy as jnp
from jax import lax
from jax.experimental import pallas as pl
from jax.experimental.pallas import tpu as pltpu
from jax.experimental.pallas import tpu_sc as plsc

N = 10000
N_PAD = 10112
E = 320000
D = 128
EPS = 1e-8
CHUNK = 3200
NCHUNK = E // CHUNK
LANES = 16
ROWS_PER_TEC = 2


def _prep(x, w_root, bias2):

    def body(x_ref, wq_ref, b_ref, p_ref, root_ref):
        xt = x_ref[...]
        xb = xt.astype(jnp.bfloat16)
        lo = lax.bitcast_convert_type(xb[:, 0:64], jnp.uint16).astype(jnp.uint32)
        hi = lax.bitcast_convert_type(xb[:, 64:128], jnp.uint16).astype(jnp.uint32)
        w = lax.bitcast_convert_type(lo | (hi << 16), jnp.int32)
        p_ref[...] = w.T
        root_ref[...] = (
            lax.dot_general(
                xt,
                wq_ref[...],
                (((1,), (0,)), ((), ())),
                preferred_element_type=jnp.float32,
                
            )
            + b_ref[...]
        )

    return pl.pallas_call(
        body,
        grid=(N_PAD // 128,),
        in_specs=[
            pl.BlockSpec((128, D), lambda i: (i, 0)),
            pl.BlockSpec((D, D), lambda i: (0, 0)),
            pl.BlockSpec((1, D), lambda i: (0, 0)),
        ],
        out_specs=[
            pl.BlockSpec((D // 2, 128), lambda i: (0, i)),
            pl.BlockSpec((128, D), lambda i: (i, 0)),
        ],
        out_shape=[
            jax.ShapeDtypeStruct((D // 2, N_PAD), jnp.int32),
            jax.ShapeDtypeStruct((N, D), jnp.float32),
        ],
    )(x, w_root, bias2)


def _sc_segsum(p_t, edge_index, t16):
    mesh = plsc.VectorSubcoreMesh(core_axis_name="c", subcore_axis_name="s")

    scratch = (
        [pltpu.VMEM((N_PAD,), jnp.int32) for _ in range(ROWS_PER_TEC)]
        + [pltpu.VMEM((N_PAD,), jnp.float32) for _ in range(4)]
        + [pltpu.VMEM((N_PAD,), jnp.float32) for _ in range(4)]
        + [pltpu.VMEM((CHUNK,), jnp.int32) for _ in range(2)]
        + [pltpu.VMEM((CHUNK,), jnp.int32) for _ in range(2)]
        + [pltpu.VMEM((LANES,), jnp.float32)]
        + [pltpu.SemaphoreType.DMA((4,))]
    )

    cp = pltpu.CompilerParams()
    if "needs_layout_passes" in pltpu.CompilerParams.__dataclass_fields__:
        cp = dataclasses.replace(cp, needs_layout_passes=False)

    @functools.partial(
        pl.kernel,
        out_type=jax.ShapeDtypeStruct((2 * D, N_PAD), jnp.float32),
        mesh=mesh,
        scratch_types=scratch,
        compiler_params=cp,
    )
    def k(p_hbm, ei_hbm, t_hbm, acc_hbm, pr0, pr1,
          s00, s01, s02, s03, s10, s11, s12, s13, sb0, sb1, db0, db1,
          tvec, sems):
        prows = [pr0, pr1]
        arows0 = [s00, s01, s02, s03]
        arows1 = [s10, s11, s12, s13]
        sbufs = [sb0, sb1]
        dbufs = [db0, db1]
        wid = lax.axis_index("c") * 16 + lax.axis_index("s")

        def issue(c_idx, b):
            off = c_idx * CHUNK
            pltpu.make_async_copy(
                ei_hbm.at[0, pl.ds(off, CHUNK)], sbufs[b], sems.at[2 * b]
            ).start()
            pltpu.make_async_copy(
                ei_hbm.at[1, pl.ds(off, CHUNK)], dbufs[b], sems.at[2 * b + 1]
            ).start()

        def wait(b):
            pltpu.make_async_copy(
                ei_hbm.at[0, pl.ds(0, CHUNK)], sbufs[b], sems.at[2 * b]
            ).wait()
            pltpu.make_async_copy(
                ei_hbm.at[1, pl.ds(0, CHUNK)], dbufs[b], sems.at[2 * b + 1]
            ).wait()

        zeros = jnp.zeros((LANES,), jnp.float32)
        base_row = wid * ROWS_PER_TEC

        pltpu.sync_copy(t_hbm, tvec)
        for r in range(ROWS_PER_TEC):
            pltpu.sync_copy(p_hbm.at[base_row + r], prows[r])

        @plsc.parallel_loop(0, N_PAD // LANES)
        def _(i):
            o = i * LANES
            for f in range(4):
                arows0[f][pl.ds(o, LANES)] = zeros
                arows1[f][pl.ds(o, LANES)] = zeros

        tv = tvec[...]

        for b in range(2):
            issue(b, b)

        @pl.loop(0, NCHUNK, step=2)
        def _(c):
            for b in range(2):
                cc = c + b
                wait(b)

                @plsc.parallel_loop(0, CHUNK // LANES, unroll=4)
                def _(v):
                    o = v * LANES
                    s = sbufs[b][pl.ds(o, LANES)]
                    d = dbufs[b][pl.ds(o, LANES)]
                    for r in range(ROWS_PER_TEC):
                        w = plsc.load_gather(prows[r], [s])
                        xlo, xhi = plsc.unpack(
                            plsc.bitcast(w, jnp.bfloat16),
                            format=plsc.PackFormat.INTERLEAVED,
                        )
                        for xv, fi in ((xlo, r), (xhi, 2 + r)):
                            e = jnp.exp(tv * xv)
                            plsc.addupdate_scatter(arows0[fi], [d], e)
                            plsc.addupdate_scatter(arows1[fi], [d], e * xv)

                @pl.when(cc + 2 < NCHUNK)
                def _():
                    issue(cc + 2, b)

        outs = []
        for r in range(ROWS_PER_TEC):
            f_lo = 2 * wid + r
            f_hi = D // 2 + 2 * wid + r
            outs += [
                (arows0[r], acc_hbm.at[f_lo]),
                (arows1[r], acc_hbm.at[D + f_lo]),
                (arows0[2 + r], acc_hbm.at[f_hi]),
                (arows1[2 + r], acc_hbm.at[D + f_hi]),
            ]
        for src_ref, dst_ref in outs:
            pltpu.make_async_copy(src_ref, dst_ref, sems.at[0]).start()
        for src_ref, dst_ref in outs:
            pltpu.make_async_copy(src_ref, dst_ref, sems.at[0]).wait()

    return k(p_t, edge_index, t16)


def _finish(acc_t, root, w_rel):

    def body(acc_ref, r_ref, wr_ref, o_ref):
        acc = acc_ref[...]
        agg_t = acc[D : 2 * D, :] / (acc[0:D, :] + EPS)
        o = lax.dot_general(
            agg_t,
            wr_ref[...],
            (((0,), (0,)), ((), ())),
            preferred_element_type=jnp.float32,
            
        )
        o_ref[...] = o + r_ref[...]

    return pl.pallas_call(
        body,
        grid=(N_PAD // 128,),
        in_specs=[
            pl.BlockSpec((2 * D, 128), lambda j: (0, j)),
            pl.BlockSpec((128, D), lambda j: (j, 0)),
            pl.BlockSpec((D, D), lambda j: (0, 0)),
        ],
        out_specs=pl.BlockSpec((128, D), lambda j: (j, 0)),
        out_shape=jax.ShapeDtypeStruct((N, D), jnp.float32),
    )(acc_t, root, w_rel)


def kernel(x, edge_index, W_rel, W_root, bias, t):
    ei = edge_index.astype(jnp.int32)
    t16 = jnp.full((LANES,), t, jnp.float32)
    p_t, root = _prep(x, W_root, bias.reshape(1, D))
    acc_t = _sc_segsum(p_t, ei, t16)
    return _finish(acc_t, root, W_rel)

# --- scband reference (transcript-rebuilt; emitter-appended) ---
"""Pipeline reference for scband-graph-conv-gen-agg-wrapper-57535381897288 (READ-ONLY COPY).

The authoritative reference and input builder live on the scoring server;
editing this copy changes nothing except your own understanding.
"""

import jax, jax.numpy as jnp
import numpy as np

N_NODES = 10000
N_EDGES = 320000
D_IN = 128
D_OUT = 128
EPS = 1e-8


def setup_inputs(seed: int = 0) -> dict:
    key = jax.random.key(seed)
    k1, k2, k3, k4, k5 = jax.random.split(key, 5)
    x = jax.random.normal(k1, (N_NODES, D_IN), dtype=jnp.float32)
    edge_index = jax.random.randint(k2, (2, N_EDGES), 0, N_NODES, dtype=jnp.int64)
    # GraphConv parameters: lin_rel (applied to aggregated neighbors, carries bias)
    # and lin_root (applied to the node's own features), per PyG GraphConv.
    W_rel = jax.random.normal(k3, (D_IN, D_OUT), dtype=jnp.float32) * (1.0 / np.sqrt(D_IN))
    W_root = jax.random.normal(k4, (D_IN, D_OUT), dtype=jnp.float32) * (1.0 / np.sqrt(D_IN))
    bias = jnp.zeros((D_OUT,), dtype=jnp.float32)
    # GenAggSparse learnable aggregation temperature (softmax-family generalized aggregator;
    # t -> 0 recovers mean, t -> +inf recovers max, t -> -inf recovers min).
    t = jnp.asarray(1.0, dtype=jnp.float32)
    return {"x": x, "edge_index": edge_index, "W_rel": W_rel, "W_root": W_root, "bias": bias, "t": t}


def _gen_agg(x_j, dst, t, num_segments):
    # Generalized (learnable softmax) aggregation over incoming edges per destination node.
    s = t * x_j  # [E, d]
    seg_max = jax.ops.segment_max(s, dst, num_segments=num_segments)  # [N, d], -inf for empty segments
    seg_max = jnp.where(jnp.isfinite(seg_max), seg_max, 0.0)
    e = jnp.exp(s - seg_max[dst])  # [E, d]
    denom = jax.ops.segment_sum(e, dst, num_segments=num_segments) + EPS  # [N, d]
    w = e / denom[dst]  # [E, d]
    return jax.ops.segment_sum(w * x_j, dst, num_segments=num_segments)  # [N, d]


def reference(x, edge_index, W_rel, W_root, bias, t):
    src = edge_index[0]
    dst = edge_index[1]
    x_j = jnp.take(x, src, axis=0)  # gather source node features per edge
    agg = _gen_agg(x_j, dst, t, x.shape[0])  # generalized aggregation to dst nodes
    out = agg @ W_rel + x @ W_root + bias  # GraphConv: lin_rel(aggr(x_j)) + lin_root(x)
    return out

if __name__ == "__main__":
    import jax
    _d = setup_inputs()
    print(jax.jit(kernel)(*tuple(_d.values())))

</pallas_src>

<mosaic_0001>
#map = affine_map<(d0, d1) -> (0, 0)>
#map1 = affine_map<(d0, d1) -> (0)>
module attributes {stable_mosaic.version = 14 : i64} {
  func.func @k(%arg0: i32, %arg1: i32, %arg2: memref<64x10112xi32, #tpu.memory_space<hbm>>, %arg3: memref<2x320000xi32, #tpu.memory_space<hbm>>, %arg4: memref<16xf32, #tpu.memory_space<hbm>>, %arg5: memref<256x10112xf32, #tpu.memory_space<hbm>>, %arg6: memref<10112xi32, #tpu.memory_space<vmem>>, %arg7: memref<10112xi32, #tpu.memory_space<vmem>>, %arg8: memref<10112xf32, #tpu.memory_space<vmem>>, %arg9: memref<10112xf32, #tpu.memory_space<vmem>>, %arg10: memref<10112xf32, #tpu.memory_space<vmem>>, %arg11: memref<10112xf32, #tpu.memory_space<vmem>>, %arg12: memref<10112xf32, #tpu.memory_space<vmem>>, %arg13: memref<10112xf32, #tpu.memory_space<vmem>>, %arg14: memref<10112xf32, #tpu.memory_space<vmem>>, %arg15: memref<10112xf32, #tpu.memory_space<vmem>>, %arg16: memref<3200xi32, #tpu.memory_space<vmem>>, %arg17: memref<3200xi32, #tpu.memory_space<vmem>>, %arg18: memref<3200xi32, #tpu.memory_space<vmem>>, %arg19: memref<3200xi32, #tpu.memory_space<vmem>>, %arg20: memref<16xf32, #tpu.memory_space<vmem>>, %arg21: memref<4x!tpu.dma_semaphore, #tpu.memory_space<semaphore_mem>>) attributes {dimension_semantics = [#tpu.dimension_semantics<core_parallel>, #tpu.dimension_semantics<subcore_parallel>], iteration_bounds = array<i64: 2, 16>, scalar_prefetch = 0 : i64, scratch_operands = 16 : i64, tpu.core_type = #tpu.core_type<sc_vector_subcore>, window_params = [{transform_indices = #map}, {transform_indices = #map}, {transform_indices = #map1}, {transform_indices = #map}]} {
    %mul3A = arith.constant 16 : i32
    %mul3A_0 = arith.muli %arg0, %mul3A : i32
    %add3A = arith.addi %mul3A_0, %arg1 : i32
    %broadcast_in_dim3A = arith.constant 0.000000e+00 : f32
    %broadcast_in_dim3A_1 = vector.broadcast %broadcast_in_dim3A : f32 to vector<16xf32>
    %mul3A_2 = arith.constant 2 : i32
    %mul3A_3 = arith.muli %add3A, %mul3A_2 : i32
    "tpu.region"() ({
      %run_scoped3A = tpu.sem_alloc : memref<!tpu.dma_semaphore, #tpu.memory_space<semaphore_mem>>
      tpu.enqueue_dma source(%arg4 : memref<16xf32, #tpu.memory_space<hbm>>) target(%arg20 : memref<16xf32, #tpu.memory_space<vmem>>) target_semaphore(%run_scoped3A : memref<!tpu.dma_semaphore, #tpu.memory_space<semaphore_mem>>)
      tpu.wait_dma2 semaphore(%run_scoped3A : memref<!tpu.dma_semaphore, #tpu.memory_space<semaphore_mem>>) src(%arg4 : memref<16xf32, #tpu.memory_space<hbm>>) dst(%arg20 : memref<16xf32, #tpu.memory_space<vmem>>)
      tpu.yield
    }) : () -> ()
    %add3A_4 = arith.constant 0 : i32
    %add3A_5 = arith.addi %mul3A_3, %add3A_4 : i32
    "tpu.region"() ({
      %run_scoped3A = tpu.sem_alloc : memref<!tpu.dma_semaphore, #tpu.memory_space<semaphore_mem>>
      %dma_start3A_225 = arith.constant 0 : i32
      %dma_start3A_226 = tpu.memref_slice %arg2[%add3A_5, %dma_start3A_225] : memref<64x10112xi32, #tpu.memory_space<hbm>> -> memref<1x10112xi32, #tpu.memory_space<hbm>>
      %dma_start3A_227 = tpu.memref_squeeze %dma_start3A_226 : memref<1x10112xi32, #tpu.memory_space<hbm>> -> memref<10112xi32, #tpu.memory_space<hbm>>
      %dma_start3A_228 = arith.constant 0 : i32
      %dma_start3A_229 = tpu.memref_slice %arg2[%add3A_5, %dma_start3A_228] : memref<64x10112xi32, #tpu.memory_space<hbm>> -> memref<1x10112xi32, #tpu.memory_space<hbm>>
      %dma_start3A_230 = tpu.memref_squeeze %dma_start3A_229 : memref<1x10112xi32, #tpu.memory_space<hbm>> -> memref<10112xi32, #tpu.memory_space<hbm>>
      tpu.enqueue_dma source(%dma_start3A_230 : memref<10112xi32, #tpu.memory_space<hbm>>) target(%arg6 : memref<10112xi32, #tpu.memory_space<vmem>>) target_semaphore(%run_scoped3A : memref<!tpu.dma_semaphore, #tpu.memory_space<semaphore_mem>>)
      %dma_wait3A_231 = arith.constant 0 : i32
      %dma_wait3A_232 = tpu.memref_slice %arg2[%add3A_5, %dma_wait3A_231] : memref<64x10112xi32, #tpu.memory_space<hbm>> -> memref<1x10112xi32, #tpu.memory_space<hbm>>
      %dma_wait3A_233 = tpu.memref_squeeze %dma_wait3A_232 : memref<1x10112xi32, #tpu.memory_space<hbm>> -> memref<10112xi32, #tpu.memory_space<hbm>>
      %dma_wait3A_234 = arith.constant 0 : i32
      %dma_wait3A_235 = tpu.memref_slice %arg2[%add3A_5, %dma_wait3A_234] : memref<64x10112xi32, #tpu.memory_space<hbm>> -> memref<1x10112xi32, #tpu.memory_space<hbm>>
      %dma_wait3A_236 = tpu.memref_squeeze %dma_wait3A_235 : memref<1x10112xi32, #tpu.memory_space<hbm>> -> memref<10112xi32, #tpu.memory_space<hbm>>
      tpu.wait_dma2 semaphore(%run_scoped3A : memref<!tpu.dma_semaphore, #tpu.memory_space<semaphore_mem>>) src(%dma_wait3A_236 : memref<10112xi32, #tpu.memory_space<hbm>>) dst(%arg6 : memref<10112xi32, #tpu.memory_space<vmem>>)
      tpu.yield
    }) : () -> ()
    %add3A_6 = arith.constant 1 : i32
    %add3A_7 = arith.addi %mul3A_3, %add3A_6 : i32
    "tpu.region"() ({
      %run_scoped3A = tpu.sem_alloc : memref<!tpu.dma_semaphore, #tpu.memory_space<semaphore_mem>>
      %dma_start3A_225 = arith.constant 0 : i32
      %dma_start3A_226 = tpu.memref_slice %arg2[%add3A_7, %dma_start3A_225] : memref<64x10112xi32, #tpu.memory_space<hbm>> -> memref<1x10112xi32, #tpu.memory_space<hbm>>
      %dma_start3A_227 = tpu.memref_squeeze %dma_start3A_226 : memref<1x10112xi32, #tpu.memory_space<hbm>> -> memref<10112xi32, #tpu.memory_space<hbm>>
      %dma_start3A_228 = arith.constant 0 : i32
      %dma_start3A_229 = tpu.memref_slice %arg2[%add3A_7, %dma_start3A_228] : memref<64x10112xi32, #tpu.memory_space<hbm>> -> memref<1x10112xi32, #tpu.memory_space<hbm>>
      %dma_start3A_230 = tpu.memref_squeeze %dma_start3A_229 : memref<1x10112xi32, #tpu.memory_space<hbm>> -> memref<10112xi32, #tpu.memory_space<hbm>>
      tpu.enqueue_dma source(%dma_start3A_230 : memref<10112xi32, #tpu.memory_space<hbm>>) target(%arg7 : memref<10112xi32, #tpu.memory_space<vmem>>) target_semaphore(%run_scoped3A : memref<!tpu.dma_semaphore, #tpu.memory_space<semaphore_mem>>)
      %dma_wait3A_231 = arith.constant 0 : i32
      %dma_wait3A_232 = tpu.memref_slice %arg2[%add3A_7, %dma_wait3A_231] : memref<64x10112xi32, #tpu.memory_space<hbm>> -> memref<1x10112xi32, #tpu.memory_space<hbm>>
      %dma_wait3A_233 = tpu.memref_squeeze %dma_wait3A_232 : memref<1x10112xi32, #tpu.memory_space<hbm>> -> memref<10112xi32, #tpu.memory_space<hbm>>
      %dma_wait3A_234 = arith.constant 0 : i32
      %dma_wait3A_235 = tpu.memref_slice %arg2[%add3A_7, %dma_wait3A_234] : memref<64x10112xi32, #tpu.memory_space<hbm>> -> memref<1x10112xi32, #tpu.memory_space<hbm>>
      %dma_wait3A_236 = tpu.memref_squeeze %dma_wait3A_235 : memref<1x10112xi32, #tpu.memory_space<hbm>> -> memref<10112xi32, #tpu.memory_space<hbm>>
      tpu.wait_dma2 semaphore(%run_scoped3A : memref<!tpu.dma_semaphore, #tpu.memory_space<semaphore_mem>>) src(%dma_wait3A_236 : memref<10112xi32, #tpu.memory_space<hbm>>) dst(%arg7 : memref<10112xi32, #tpu.memory_space<vmem>>)
      tpu.yield
    }) : () -> ()
    %parallel_loop3A = arith.constant 0 : i32
    %parallel_loop3A_8 = arith.constant 632 : i32
    %parallel_loop3A_9 = arith.constant 1 : i32
    scf.for %parallel_loop3A_225 = %parallel_loop3A to %parallel_loop3A_8 step %parallel_loop3A_9  : i32 {
      %parallel_loop3A_226 = arith.constant 16 : i32
      %parallel_loop3A_227 = arith.muli %parallel_loop3A_225, %parallel_loop3A_226 : i32
      %parallel_loop3A_228 = arith.index_cast %parallel_loop3A_227 : i32 to index
      %parallel_loop3A_229 = tpu.vector_load %arg8[%parallel_loop3A_228] {strides = array<i32>} : memref<10112xf32, #tpu.memory_space<vmem>>, vector<16xf32>,
      tpu.vector_store %arg8[%parallel_loop3A_228], %broadcast_in_dim3A_1 {strides = array<i32>} : memref<10112xf32, #tpu.memory_space<vmem>>, vector<16xf32>,
      %parallel_loop3A_230 = arith.index_cast %parallel_loop3A_227 : i32 to index
      %parallel_loop3A_231 = tpu.vector_load %arg12[%parallel_loop3A_230] {strides = array<i32>} : memref<10112xf32, #tpu.memory_space<vmem>>, vector<16xf32>,
      tpu.vector_store %arg12[%parallel_loop3A_230], %broadcast_in_dim3A_1 {strides = array<i32>} : memref<10112xf32, #tpu.memory_space<vmem>>, vector<16xf32>,
      %parallel_loop3A_232 = arith.index_cast %parallel_loop3A_227 : i32 to index
      %parallel_loop3A_233 = tpu.vector_load %arg9[%parallel_loop3A_232] {strides = array<i32>} : memref<10112xf32, #tpu.memory_space<vmem>>, vector<16xf32>,
      tpu.vector_store %arg9[%parallel_loop3A_232], %broadcast_in_dim3A_1 {strides = array<i32>} : memref<10112xf32, #tpu.memory_space<vmem>>, vector<16xf32>,
      %parallel_loop3A_234 = arith.index_cast %parallel_loop3A_227 : i32 to index
      %parallel_loop3A_235 = tpu.vector_load %arg13[%parallel_loop3A_234] {strides = array<i32>} : memref<10112xf32, #tpu.memory_space<vmem>>, vector<16xf32>,
      tpu.vector_store %arg13[%parallel_loop3A_234], %broadcast_in_dim3A_1 {strides = array<i32>} : memref<10112xf32, #tpu.memory_space<vmem>>, vector<16xf32>,
      %parallel_loop3A_236 = arith.index_cast %parallel_loop3A_227 : i32 to index
      %parallel_loop3A_237 = tpu.vector_load %arg10[%parallel_loop3A_236] {strides = array<i32>} : memref<10112xf32, #tpu.memory_space<vmem>>, vector<16xf32>,
      tpu.vector_store %arg10[%parallel_loop3A_236], %broadcast_in_dim3A_1 {strides = array<i32>} : memref<10112xf32, #tpu.memory_space<vmem>>, vector<16xf32>,
      %parallel_loop3A_238 = arith.index_cast %parallel_loop3A_227 : i32 to index
      %parallel_loop3A_239 = tpu.vector_load %arg14[%parallel_loop3A_238] {strides = array<i32>} : memref<10112xf32, #tpu.memory_space<vmem>>, vector<16xf32>,
      tpu.vector_store %arg14[%parallel_loop3A_238], %broadcast_in_dim3A_1 {strides = array<i32>} : memref<10112xf32, #tpu.memory_space<vmem>>, vector<16xf32>,
      %parallel_loop3A_240 = arith.index_cast %parallel_loop3A_227 : i32 to index
      %parallel_loop3A_241 = tpu.vector_load %arg11[%parallel_loop3A_240] {strides = array<i32>} : memref<10112xf32, #tpu.memory_space<vmem>>, vector<16xf32>,
      tpu.vector_store %arg11[%parallel_loop3A_240], %broadcast_in_dim3A_1 {strides = array<i32>} : memref<10112xf32, #tpu.memory_space<vmem>>, vector<16xf32>,
      %parallel_loop3A_242 = arith.index_cast %parallel_loop3A_227 : i32 to index
      %parallel_loop3A_243 = tpu.vector_load %arg15[%parallel_loop3A_242] {strides = array<i32>} : memref<10112xf32, #tpu.memory_space<vmem>>, vector<16xf32>,
      tpu.vector_store %arg15[%parallel_loop3A_242], %broadcast_in_dim3A_1 {strides = array<i32>} : memref<10112xf32, #tpu.memory_space<vmem>>, vector<16xf32>,
    } {sc.loop_unroll_factor = 1 : i64, sc.parallel_access}
    %get3A = arith.constant 0 : index
    %get3A_10 = tpu.vector_load %arg20[%get3A] {strides = array<i32>} : memref<16xf32, #tpu.memory_space<vmem>>, vector<16xf32>,
    %dma_start3A = arith.constant 0 : i32
    %dma_start3A_11 = arith.constant 0 : i32
    %dma_start3A_12 = arith.constant 0 : i32
    %dma_start3A_13 = tpu.memref_slice %arg3[%dma_start3A, %dma_start3A_12] : memref<2x320000xi32, #tpu.memory_space<hbm>> -> memref<1x3200xi32, #tpu.memory_space<hbm>>
    %dma_start3A_14 = tpu.memref_squeeze %dma_start3A_13 : memref<1x3200xi32, #tpu.memory_space<hbm>> -> memref<3200xi32, #tpu.memory_space<hbm>>
    %dma_start3A_15 = tpu.memref_slice %arg21[%dma_start3A_11] : memref<4x!tpu.dma_semaphore, #tpu.memory_space<semaphore_mem>> -> memref<1x!tpu.dma_semaphore, #tpu.memory_space<semaphore_mem>>
    %dma_start3A_16 = tpu.memref_squeeze %dma_start3A_15 : memref<1x!tpu.dma_semaphore, #tpu.memory_space<semaphore_mem>> -> memref<!tpu.dma_semaphore, #tpu.memory_space<semaphore_mem>>
    %dma_start3A_17 = arith.constant 0 : i32
    %dma_start3A_18 = tpu.memref_slice %arg3[%dma_start3A, %dma_start3A_17] : memref<2x320000xi32, #tpu.memory_space<hbm>> -> memref<1x3200xi32, #tpu.memory_space<hbm>>
    %dma_start3A_19 = tpu.memref_squeeze %dma_start3A_18 : memref<1x3200xi32, #tpu.memory_space<hbm>> -> memref<3200xi32, #tpu.memory_space<hbm>>
    tpu.enqueue_dma source(%dma_start3A_19 : memref<3200xi32, #tpu.memory_space<hbm>>) target(%arg16 : memref<3200xi32, #tpu.memory_space<vmem>>) target_semaphore(%dma_start3A_16 : memref<!tpu.dma_semaphore, #tpu.memory_space<semaphore_mem>>)
    %dma_start3A_20 = arith.constant 1 : i32
    %dma_start3A_21 = arith.constant 1 : i32
    %dma_start3A_22 = arith.constant 0 : i32
    %dma_start3A_23 = tpu.memref_slice %arg3[%dma_start3A_20, %dma_start3A_22] : memref<2x320000xi32, #tpu.memory_space<hbm>> -> memref<1x3200xi32, #tpu.memory_space<hbm>>
    %dma_start3A_24 = tpu.memref_squeeze %dma_start3A_23 : memref<1x3200xi32, #tpu.memory_space<hbm>> -> memref<3200xi32, #tpu.memory_space<hbm>>
    %dma_start3A_25 = tpu.memref_slice %arg21[%dma_start3A_21] : memref<4x!tpu.dma_semaphore, #tpu.memory_space<semaphore_mem>> -> memref<1x!tpu.dma_semaphore, #tpu.memory_space<semaphore_mem>>
    %dma_start3A_26 = tpu.memref_squeeze %dma_start3A_25 : memref<1x!tpu.dma_semaphore, #tpu.memory_space<semaphore_mem>> -> memref<!tpu.dma_semaphore, #tpu.memory_space<semaphore_mem>>
    %dma_start3A_27 = arith.constant 0 : i32
    %dma_start3A_28 = tpu.memref_slice %arg3[%dma_start3A_20, %dma_start3A_27] : memref<2x320000xi32, #tpu.memory_space<hbm>> -> memref<1x3200xi32, #tpu.memory_space<hbm>>
    %dma_start3A_29 = tpu.memref_squeeze %dma_start3A_28 : memref<1x3200xi32, #tpu.memory_space<hbm>> -> memref<3200xi32, #tpu.memory_space<hbm>>
    tpu.enqueue_dma source(%dma_start3A_29 : memref<3200xi32, #tpu.memory_space<hbm>>) target(%arg18 : memref<3200xi32, #tpu.memory_space<vmem>>) target_semaphore(%dma_start3A_26 : memref<!tpu.dma_semaphore, #tpu.memory_space<semaphore_mem>>)
    %dma_start3A_30 = arith.constant 0 : i32
    %dma_start3A_31 = arith.constant 2 : i32
    %dma_start3A_32 = arith.constant 3200 : i32
    %dma_start3A_33 = tpu.memref_slice %arg3[%dma_start3A_30, %dma_start3A_32] : memref<2x320000xi32, #tpu.memory_space<hbm>> -> memref<1x3200xi32, #tpu.memory_space<hbm>>
    %dma_start3A_34 = tpu.memref_squeeze %dma_start3A_33 : memref<1x3200xi32, #tpu.memory_space<hbm>> -> memref<3200xi32, #tpu.memory_space<hbm>>
    %dma_start3A_35 = tpu.memref_slice %arg21[%dma_start3A_31] : memref<4x!tpu.dma_semaphore, #tpu.memory_space<semaphore_mem>> -> memref<1x!tpu.dma_semaphore, #tpu.memory_space<semaphore_mem>>
    %dma_start3A_36 = tpu.memref_squeeze %dma_start3A_35 : memref<1x!tpu.dma_semaphore, #tpu.memory_space<semaphore_mem>> -> memref<!tpu.dma_semaphore, #tpu.memory_space<semaphore_mem>>
    %dma_start3A_37 = arith.constant 3200 : i32
    %dma_start3A_38 = tpu.memref_slice %arg3[%dma_start3A_30, %dma_start3A_37] : memref<2x320000xi32, #tpu.memory_space<hbm>> -> memref<1x3200xi32, #tpu.memory_space<hbm>>
    %dma_start3A_39 = tpu.memref_squeeze %dma_start3A_38 : memref<1x3200xi32, #tpu.memory_space<hbm>> -> memref<3200xi32, #tpu.memory_space<hbm>>
    tpu.enqueue_dma source(%dma_start3A_39 : memref<3200xi32, #tpu.memory_space<hbm>>) target(%arg17 : memref<3200xi32, #tpu.memory_space<vmem>>) target_semaphore(%dma_start3A_36 : memref<!tpu.dma_semaphore, #tpu.memory_space<semaphore_mem>>)
    %dma_start3A_40 = arith.constant 1 : i32
    %dma_start3A_41 = arith.constant 3 : i32
    %dma_start3A_42 = arith.constant 3200 : i32
    %dma_start3A_43 = tpu.memref_slice %arg3[%dma_start3A_40, %dma_start3A_42] : memref<2x320000xi32, #tpu.memory_space<hbm>> -> memref<1x3200xi32, #tpu.memory_space<hbm>>
    %dma_start3A_44 = tpu.memref_squeeze %dma_start3A_43 : memref<1x3200xi32, #tpu.memory_space<hbm>> -> memref<3200xi32, #tpu.memory_space<hbm>>
    %dma_start3A_45 = tpu.memref_slice %arg21[%dma_start3A_41] : memref<4x!tpu.dma_semaphore, #tpu.memory_space<semaphore_mem>> -> memref<1x!tpu.dma_semaphore, #tpu.memory_space<semaphore_mem>>
    %dma_start3A_46 = tpu.memref_squeeze %dma_start3A_45 : memref<1x!tpu.dma_semaphore, #tpu.memory_space<semaphore_mem>> -> memref<!tpu.dma_semaphore, #tpu.memory_space<semaphore_mem>>
    %dma_start3A_47 = arith.constant 3200 : i32
    %dma_start3A_48 = tpu.memref_slice %arg3[%dma_start3A_40, %dma_start3A_47] : memref<2x320000xi32, #tpu.memory_space<hbm>> -> memref<1x3200xi32, #tpu.memory_space<hbm>>
    %dma_start3A_49 = tpu.memref_squeeze %dma_start3A_48 : memref<1x3200xi32, #tpu.memory_space<hbm>> -> memref<3200xi32, #tpu.memory_space<hbm>>
    tpu.enqueue_dma source(%dma_start3A_49 : memref<3200xi32, #tpu.memory_space<hbm>>) target(%arg19 : memref<3200xi32, #tpu.memory_space<vmem>>) target_semaphore(%dma_start3A_46 : memref<!tpu.dma_semaphore, #tpu.memory_space<semaphore_mem>>)
    %scan3A = arith.constant 0 : i32
    %scan3A_50 = arith.constant 50 : i32
    %scan3A_51 = arith.addi %scan3A, %scan3A_50 : i32
    %scan3A_52 = arith.constant 1 : i32
    scf.for %scan3A_225 = %scan3A to %scan3A_51 step %scan3A_52  : i32 {
      %mul3A_226 = arith.constant 2 : i32
      %mul3A_227 = arith.muli %scan3A_225, %mul3A_226 : i32
      %add3A_228 = arith.constant 0 : i32
      %add3A_229 = arith.addi %add3A_228, %mul3A_227 : i32
      %add3A_230 = arith.constant 0 : i32
      %add3A_231 = arith.addi %add3A_229, %add3A_230 : i32
      %dma_wait3A_232 = arith.constant 0 : i32
      %dma_wait3A_233 = arith.constant 0 : i32
      %dma_wait3A_234 = arith.constant 0 : i32
      %dma_wait3A_235 = tpu.memref_slice %arg3[%dma_wait3A_232, %dma_wait3A_234] : memref<2x320000xi32, #tpu.memory_space<hbm>> -> memref<1x3200xi32, #tpu.memory_space<hbm>>
      %dma_wait3A_236 = tpu.memref_squeeze %dma_wait3A_235 : memref<1x3200xi32, #tpu.memory_space<hbm>> -> memref<3200xi32, #tpu.memory_space<hbm>>
      %dma_wait3A_237 = tpu.memref_slice %arg21[%dma_wait3A_233] : memref<4x!tpu.dma_semaphore, #tpu.memory_space<semaphore_mem>> -> memref<1x!tpu.dma_semaphore, #tpu.memory_space<semaphore_mem>>
      %dma_wait3A_238 = tpu.memref_squeeze %dma_wait3A_237 : memref<1x!tpu.dma_semaphore, #tpu.memory_space<semaphore_mem>> -> memref<!tpu.dma_semaphore, #tpu.memory_space<semaphore_mem>>
      %dma_wait3A_239 = arith.constant 0 : i32
      %dma_wait3A_240 = tpu.memref_slice %arg3[%dma_wait3A_232, %dma_wait3A_239] : memref<2x320000xi32, #tpu.memory_space<hbm>> -> memref<1x3200xi32, #tpu.memory_space<hbm>>
      %dma_wait3A_241 = tpu.memref_squeeze %dma_wait3A_240 : memref<1x3200xi32, #tpu.memory_space<hbm>> -> memref<3200xi32, #tpu.memory_space<hbm>>
      tpu.wait_dma2 semaphore(%dma_wait3A_238 : memref<!tpu.dma_semaphore, #tpu.memory_space<semaphore_mem>>) src(%dma_wait3A_241 : memref<3200xi32, #tpu.memory_space<hbm>>) dst(%arg16 : memref<3200xi32, #tpu.memory_space<vmem>>)
      %dma_wait3A_242 = arith.constant 1 : i32
      %dma_wait3A_243 = arith.constant 1 : i32
      %dma_wait3A_244 = arith.constant 0 : i32
      %dma_wait3A_245 = tpu.memref_slice %arg3[%dma_wait3A_242, %dma_wait3A_244] : memref<2x320000xi32, #tpu.memory_space<hbm>> -> memref<1x3200xi32, #tpu.memory_space<hbm>>
      %dma_wait3A_246 = tpu.memref_squeeze %dma_wait3A_245 : memref<1x3200xi32, #tpu.memory_space<hbm>> -> memref<3200xi32, #tpu.memory_space<hbm>>
      %dma_wait3A_247 = tpu.memref_slice %arg21[%dma_wait3A_243] : memref<4x!tpu.dma_semaphore, #tpu.memory_space<semaphore_mem>> -> memref<1x!tpu.dma_semaphore, #tpu.memory_space<semaphore_mem>>
      %dma_wait3A_248 = tpu.memref_squeeze %dma_wait3A_247 : memref<1x!tpu.dma_semaphore, #tpu.memory_space<semaphore_mem>> -> memref<!tpu.dma_semaphore, #tpu.memory_space<semaphore_mem>>
      %dma_wait3A_249 = arith.constant 0 : i32
      %dma_wait3A_250 = tpu.memref_slice %arg3[%dma_wait3A_242, %dma_wait3A_249] : memref<2x320000xi32, #tpu.memory_space<hbm>> -> memref<1x3200xi32, #tpu.memory_space<hbm>>
      %dma_wait3A_251 = tpu.memref_squeeze %dma_wait3A_250 : memref<1x3200xi32, #tpu.memory_space<hbm>> -> memref<3200xi32, #tpu.memory_space<hbm>>
      tpu.wait_dma2 semaphore(%dma_wait3A_248 : memref<!tpu.dma_semaphore, #tpu.memory_space<semaphore_mem>>) src(%dma_wait3A_251 : memref<3200xi32, #tpu.memory_space<hbm>>) dst(%arg18 : memref<3200xi32, #tpu.memory_space<vmem>>)
      %parallel_loop3A_252 = arith.constant 0 : i32
      %parallel_loop3A_253 = arith.constant 200 : i32
      %parallel_loop3A_254 = arith.constant 1 : i32
      scf.for %parallel_loop3A_291 = %parallel_loop3A_252 to %parallel_loop3A_253 step %parallel_loop3A_254  : i32 {
        %parallel_loop3A_292 = arith.constant 16 : i32
        %parallel_loop3A_293 = arith.muli %parallel_loop3A_291, %parallel_loop3A_292 : i32
        %parallel_loop3A_294 = arith.index_cast %parallel_loop3A_293 : i32 to index
        %parallel_loop3A_295 = tpu.vector_load %arg16[%parallel_loop3A_294] {strides = array<i32>} : memref<3200xi32, #tpu.memory_space<vmem>>, vector<16xi32>,
        %parallel_loop3A_296 = arith.index_cast %parallel_loop3A_293 : i32 to index
        %parallel_loop3A_297 = tpu.vector_load %arg18[%parallel_loop3A_296] {strides = array<i32>} : memref<3200xi32, #tpu.memory_space<vmem>>, vector<16xi32>,
        %parallel_loop3A_298 = tpu.vector_load_idx %arg6[%parallel_loop3A_295] : memref<10112xi32, #tpu.memory_space<vmem>>[vector<16xi32>], vector<16xi32>,
        %parallel_loop3A_299 = vector.bitcast %parallel_loop3A_298 : vector<16xi32> to vector<32xbf16>
        %parallel_loop3A_300 = tpu.unpack_subelements %parallel_loop3A_299, 0 {pack_format = #tpu.pack_format<interleaved>} : vector<32xbf16> -> vector<16xf32>
        %parallel_loop3A_301 = tpu.unpack_subelements %parallel_loop3A_299, 1 {pack_format = #tpu.pack_format<interleaved>} : vector<32xbf16> -> vector<16xf32>
        %parallel_loop3A_302 = arith.mulf %get3A_10, %parallel_loop3A_300 : vector<16xf32>
        %parallel_loop3A_303 = math.exp %parallel_loop3A_302 : vector<16xf32>
        tpu.vector_store_idx %arg8[%parallel_loop3A_297], %parallel_loop3A_303 {add = true} : memref<10112xf32, #tpu.memory_space<vmem>>[vector<16xi32>], vector<16xf32>,
        %parallel_loop3A_304 = arith.mulf %parallel_loop3A_303, %parallel_loop3A_300 : vector<16xf32>
        tpu.vector_store_idx %arg12[%parallel_loop3A_297], %parallel_loop3A_304 {add = true} : memref<10112xf32, #tpu.memory_space<vmem>>[vector<16xi32>], vector<16xf32>,
        %parallel_loop3A_305 = arith.mulf %get3A_10, %parallel_loop3A_301 : vector<16xf32>
        %parallel_loop3A_306 = math.exp %parallel_loop3A_305 : vector<16xf32>
        tpu.vector_store_idx %arg10[%parallel_loop3A_297], %parallel_loop3A_306 {add = true} : memref<10112xf32, #tpu.memory_space<vmem>>[vector<16xi32>], vector<16xf32>,
        %parallel_loop3A_307 = arith.mulf %parallel_loop3A_306, %parallel_loop3A_301 : vector<16xf32>
        tpu.vector_store_idx %arg14[%parallel_loop3A_297], %parallel_loop3A_307 {add = true} : memref<10112xf32, #tpu.memory_space<vmem>>[vector<16xi32>], vector<16xf32>,
        %parallel_loop3A_308 = tpu.vector_load_idx %arg7[%parallel_loop3A_295] : memref<10112xi32, #tpu.memory_space<vmem>>[vector<16xi32>], vector<16xi32>,
        %parallel_loop3A_309 = vector.bitcast %parallel_loop3A_308 : vector<16xi32> to vector<32xbf16>
        %parallel_loop3A_310 = tpu.unpack_subelements %parallel_loop3A_309, 0 {pack_format = #tpu.pack_format<interleaved>} : vector<32xbf16> -> vector<16xf32>
        %parallel_loop3A_311 = tpu.unpack_subelements %parallel_loop3A_309, 1 {pack_format = #tpu.pack_format<interleaved>} : vector<32xbf16> -> vector<16xf32>
        %parallel_loop3A_312 = arith.mulf %get3A_10, %parallel_loop3A_310 : vector<16xf32>
        %parallel_loop3A_313 = math.exp %parallel_loop3A_312 : vector<16xf32>
        tpu.vector_store_idx %arg9[%parallel_loop3A_297], %parallel_loop3A_313 {add = true} : memref<10112xf32, #tpu.memory_space<vmem>>[vector<16xi32>], vector<16xf32>,
        %parallel_loop3A_314 = arith.mulf %parallel_loop3A_313, %parallel_loop3A_310 : vector<16xf32>
        tpu.vector_store_idx %arg13[%parallel_loop3A_297], %parallel_loop3A_314 {add = true} : memref<10112xf32, #tpu.memory_space<vmem>>[vector<16xi32>], vector<16xf32>,
        %parallel_loop3A_315 = arith.mulf %get3A_10, %parallel_loop3A_311 : vector<16xf32>
        %parallel_loop3A_316 = math.exp %parallel_loop3A_315 : vector<16xf32>
        tpu.vector_store_idx %arg11[%parallel_loop3A_297], %parallel_loop3A_316 {add = true} : memref<10112xf32, #tpu.memory_space<vmem>>[vector<16xi32>], vector<16xf32>,
        %parallel_loop3A_317 = arith.mulf %parallel_loop3A_316, %parallel_loop3A_311 : vector<16xf32>
        tpu.vector_store_idx %arg15[%parallel_loop3A_297], %parallel_loop3A_317 {add = true} : memref<10112xf32, #tpu.memory_space<vmem>>[vector<16xi32>], vector<16xf32>,
      } {sc.loop_unroll_factor = 4 : i64, sc.parallel_access}
      %add3A_255 = arith.constant 2 : i32
      %add3A_256 = arith.addi %add3A_231, %add3A_255 : i32
      %lt3A = arith.constant 100 : i32
      %lt3A_257 = arith.cmpi slt, %add3A_256, %lt3A : i32
      %convert_element_type3A = arith.extui %lt3A_257 : i1 to i32
      %cond3A = arith.constant 0 : i32
      %cond3A_258 = arith.cmpi ne, %convert_element_type3A, %cond3A : i32
      scf.if %cond3A_258 {
        %add3A_291 = arith.constant 2 : i32
        %add3A_292 = arith.addi %add3A_231, %add3A_291 : i32
        %mul3A_293 = arith.constant 3200 : i32
        %mul3A_294 = arith.muli %add3A_292, %mul3A_293 : i32
        %dma_start3A_295 = arith.constant 0 : i32
        %dma_start3A_296 = arith.constant 0 : i32
        %dma_start3A_297 = tpu.memref_slice %arg3[%dma_start3A_295, %mul3A_294] : memref<2x320000xi32, #tpu.memory_space<hbm>> -> memref<1x3200xi32, #tpu.memory_space<hbm>>
        %dma_start3A_298 = tpu.memref_squeeze %dma_start3A_297 : memref<1x3200xi32, #tpu.memory_space<hbm>> -> memref<3200xi32, #tpu.memory_space<hbm>>
        %dma_start3A_299 = tpu.memref_slice %arg21[%dma_start3A_296] : memref<4x!tpu.dma_semaphore, #tpu.memory_space<semaphore_mem>> -> memref<1x!tpu.dma_semaphore, #tpu.memory_space<semaphore_mem>>
        %dma_start3A_300 = tpu.memref_squeeze %dma_start3A_299 : memref<1x!tpu.dma_semaphore, #tpu.memory_space<semaphore_mem>> -> memref<!tpu.dma_semaphore, #tpu.memory_space<semaphore_mem>>
        %dma_start3A_301 = tpu.memref_slice %arg3[%dma_start3A_295, %mul3A_294] : memref<2x320000xi32, #tpu.memory_space<hbm>> -> memref<1x3200xi32, #tpu.memory_space<hbm>>
        %dma_start3A_302 = tpu.memref_squeeze %dma_start3A_301 : memref<1x3200xi32, #tpu.memory_space<hbm>> -> memref<3200xi32, #tpu.memory_space<hbm>>
        tpu.enqueue_dma source(%dma_start3A_302 : memref<3200xi32, #tpu.memory_space<hbm>>) target(%arg16 : memref<3200xi32, #tpu.memory_space<vmem>>) target_semaphore(%dma_start3A_300 : memref<!tpu.dma_semaphore, #tpu.memory_space<semaphore_mem>>)
        %dma_start3A_303 = arith.constant 1 : i32
        %dma_start3A_304 = arith.constant 1 : i32
        %dma_start3A_305 = tpu.memref_slice %arg3[%dma_start3A_303, %mul3A_294] : memref<2x320000xi32, #tpu.memory_space<hbm>> -> memref<1x3200xi32, #tpu.memory_space<hbm>>
        %dma_start3A_306 = tpu.memref_squeeze %dma_start3A_305 : memref<1x3200xi32, #tpu.memory_space<hbm>> -> memref<3200xi32, #tpu.memory_space<hbm>>
        %dma_start3A_307 = tpu.memref_slice %arg21[%dma_start3A_304] : memref<4x!tpu.dma_semaphore, #tpu.memory_space<semaphore_mem>> -> memref<1x!tpu.dma_semaphore, #tpu.memory_space<semaphore_mem>>
        %dma_start3A_308 = tpu.memref_squeeze %dma_start3A_307 : memref<1x!tpu.dma_semaphore, #tpu.memory_space<semaphore_mem>> -> memref<!tpu.dma_semaphore, #tpu.memory_space<semaphore_mem>>
        %dma_start3A_309 = tpu.memref_slice %arg3[%dma_start3A_303, %mul3A_294] : memref<2x320000xi32, #tpu.memory_space<hbm>> -> memref<1x3200xi32, #tpu.memory_space<hbm>>
        %dma_start3A_310 = tpu.memref_squeeze %dma_start3A_309 : memref<1x3200xi32, #tpu.memory_space<hbm>> -> memref<3200xi32, #tpu.memory_space<hbm>>
        tpu.enqueue_dma source(%dma_start3A_310 : memref<3200xi32, #tpu.memory_space<hbm>>) target(%arg18 : memref<3200xi32, #tpu.memory_space<vmem>>) target_semaphore(%dma_start3A_308 : memref<!tpu.dma_semaphore, #tpu.memory_space<semaphore_mem>>)
      } else {
      }
      %add3A_259 = arith.constant 1 : i32
      %add3A_260 = arith.addi %add3A_229, %add3A_259 : i32
      %dma_wait3A_261 = arith.constant 0 : i32
      %dma_wait3A_262 = arith.constant 2 : i32
      %dma_wait3A_263 = arith.constant 0 : i32
      %dma_wait3A_264 = tpu.memref_slice %arg3[%dma_wait3A_261, %dma_wait3A_263] : memref<2x320000xi32, #tpu.memory_space<hbm>> -> memref<1x3200xi32, #tpu.memory_space<hbm>>
      %dma_wait3A_265 = tpu.memref_squeeze %dma_wait3A_264 : memref<1x3200xi32, #tpu.memory_space<hbm>> -> memref<3200xi32, #tpu.memory_space<hbm>>
      %dma_wait3A_266 = tpu.memref_slice %arg21[%dma_wait3A_262] : memref<4x!tpu.dma_semaphore, #tpu.memory_space<semaphore_mem>> -> memref<1x!tpu.dma_semaphore, #tpu.memory_space<semaphore_mem>>
      %dma_wait3A_267 = tpu.memref_squeeze %dma_wait3A_266 : memref<1x!tpu.dma_semaphore, #tpu.memory_space<semaphore_mem>> -> memref<!tpu.dma_semaphore, #tpu.memory_space<semaphore_mem>>
      %dma_wait3A_268 = arith.constant 0 : i32
      %dma_wait3A_269 = tpu.memref_slice %arg3[%dma_wait3A_261, %dma_wait3A_268] : memref<2x320000xi32, #tpu.memory_space<hbm>> -> memref<1x3200xi32, #tpu.memory_space<hbm>>
      %dma_wait3A_270 = tpu.memref_squeeze %dma_wait3A_269 : memref<1x3200xi32, #tpu.memory_space<hbm>> -> memref<3200xi32, #tpu.memory_space<hbm>>
      tpu.wait_dma2 semaphore(%dma_wait3A_267 : memref<!tpu.dma_semaphore, #tpu.memory_space<semaphore_mem>>) src(%dma_wait3A_270 : memref<3200xi32, #tpu.memory_space<hbm>>) dst(%arg17 : memref<3200xi32, #tpu.memory_space<vmem>>)
      %dma_wait3A_271 = arith.constant 1 : i32
      %dma_wait3A_272 = arith.constant 3 : i32
      %dma_wait3A_273 = arith.constant 0 : i32
      %dma_wait3A_274 = tpu.memref_slice %arg3[%dma_wait3A_271, %dma_wait3A_273] : memref<2x320000xi32, #tpu.memory_space<hbm>> -> memref<1x3200xi32, #tpu.memory_space<hbm>>
      %dma_wait3A_275 = tpu.memref_squeeze %dma_wait3A_274 : memref<1x3200xi32, #tpu.memory_space<hbm>> -> memref<3200xi32, #tpu.memory_space<hbm>>
      %dma_wait3A_276 = tpu.memref_slice %arg21[%dma_wait3A_272] : memref<4x!tpu.dma_semaphore, #tpu.memory_space<semaphore_mem>> -> memref<1x!tpu.dma_semaphore, #tpu.memory_space<semaphore_mem>>
      %dma_wait3A_277 = tpu.memref_squeeze %dma_wait3A_276 : memref<1x!tpu.dma_semaphore, #tpu.memory_space<semaphore_mem>> -> memref<!tpu.dma_semaphore, #tpu.memory_space<semaphore_mem>>
      %dma_wait3A_278 = arith.constant 0 : i32
      %dma_wait3A_279 = tpu.memref_slice %arg3[%dma_wait3A_271, %dma_wait3A_278] : memref<2x320000xi32, #tpu.memory_space<hbm>> -> memref<1x3200xi32, #tpu.memory_space<hbm>>
      %dma_wait3A_280 = tpu.memref_squeeze %dma_wait3A_279 : memref<1x3200xi32, #tpu.memory_space<hbm>> -> memref<3200xi32, #tpu.memory_space<hbm>>
      tpu.wait_dma2 semaphore(%dma_wait3A_277 : memref<!tpu.dma_semaphore, #tpu.memory_space<semaphore_mem>>) src(%dma_wait3A_280 : memref<3200xi32, #tpu.memory_space<hbm>>) dst(%arg19 : memref<3200xi32, #tpu.memory_space<vmem>>)
      %parallel_loop3A_281 = arith.constant 0 : i32
      %parallel_loop3A_282 = arith.constant 200 : i32
      %parallel_loop3A_283 = arith.constant 1 : i32
      scf.for %parallel_loop3A_291 = %parallel_loop3A_281 to %parallel_loop3A_282 step %parallel_loop3A_283  : i32 {
        %parallel_loop3A_292 = arith.constant 16 : i32
        %parallel_loop3A_293 = arith.muli %parallel_loop3A_291, %parallel_loop3A_292 : i32
        %parallel_loop3A_294 = arith.index_cast %parallel_loop3A_293 : i32 to index
        %parallel_loop3A_295 = tpu.vector_load %arg17[%parallel_loop3A_294] {strides = array<i32>} : memref<3200xi32, #tpu.memory_space<vmem>>, vector<16xi32>,
        %parallel_loop3A_296 = arith.index_cast %parallel_loop3A_293 : i32 to index
        %parallel_loop3A_297 = tpu.vector_load %arg19[%parallel_loop3A_296] {strides = array<i32>} : memref<3200xi32, #tpu.memory_space<vmem>>, vector<16xi32>,
        %parallel_loop3A_298 = tpu.vector_load_idx %arg6[%parallel_loop3A_295] : memref<10112xi32, #tpu.memory_space<vmem>>[vector<16xi32>], vector<16xi32>,
        %parallel_loop3A_299 = vector.bitcast %parallel_loop3A_298 : vector<16xi32> to vector<32xbf16>
        %parallel_loop3A_300 = tpu.unpack_subelements %parallel_loop3A_299, 0 {pack_format = #tpu.pack_format<interleaved>} : vector<32xbf16> -> vector<16xf32>
        %parallel_loop3A_301 = tpu.unpack_subelements %parallel_loop3A_299, 1 {pack_format = #tpu.pack_format<interleaved>} : vector<32xbf16> -> vector<16xf32>
        %parallel_loop3A_302 = arith.mulf %get3A_10, %parallel_loop3A_300 : vector<16xf32>
        %parallel_loop3A_303 = math.exp %parallel_loop3A_302 : vector<16xf32>
        tpu.vector_store_idx %arg8[%parallel_loop3A_297], %parallel_loop3A_303 {add = true} : memref<10112xf32, #tpu.memory_space<vmem>>[vector<16xi32>], vector<16xf32>,
        %parallel_loop3A_304 = arith.mulf %parallel_loop3A_303, %parallel_loop3A_300 : vector<16xf32>
        tpu.vector_store_idx %arg12[%parallel_loop3A_297], %parallel_loop3A_304 {add = true} : memref<10112xf32, #tpu.memory_space<vmem>>[vector<16xi32>], vector<16xf32>,
        %parallel_loop3A_305 = arith.mulf %get3A_10, %parallel_loop3A_301 : vector<16xf32>
        %parallel_loop3A_306 = math.exp %parallel_loop3A_305 : vector<16xf32>
        tpu.vector_store_idx %arg10[%parallel_loop3A_297], %parallel_loop3A_306 {add = true} : memref<10112xf32, #tpu.memory_space<vmem>>[vector<16xi32>], vector<16xf32>,
        %parallel_loop3A_307 = arith.mulf %parallel_loop3A_306, %parallel_loop3A_301 : vector<16xf32>
        tpu.vector_store_idx %arg14[%parallel_loop3A_297], %parallel_loop3A_307 {add = true} : memref<10112xf32, #tpu.memory_space<vmem>>[vector<16xi32>], vector<16xf32>,
        %parallel_loop3A_308 = tpu.vector_load_idx %arg7[%parallel_loop3A_295] : memref<10112xi32, #tpu.memory_space<vmem>>[vector<16xi32>], vector<16xi32>,
        %parallel_loop3A_309 = vector.bitcast %parallel_loop3A_308 : vector<16xi32> to vector<32xbf16>
        %parallel_loop3A_310 = tpu.unpack_subelements %parallel_loop3A_309, 0 {pack_format = #tpu.pack_format<interleaved>} : vector<32xbf16> -> vector<16xf32>
        %parallel_loop3A_311 = tpu.unpack_subelements %parallel_loop3A_309, 1 {pack_format = #tpu.pack_format<interleaved>} : vector<32xbf16> -> vector<16xf32>
        %parallel_loop3A_312 = arith.mulf %get3A_10, %parallel_loop3A_310 : vector<16xf32>
        %parallel_loop3A_313 = math.exp %parallel_loop3A_312 : vector<16xf32>
        tpu.vector_store_idx %arg9[%parallel_loop3A_297], %parallel_loop3A_313 {add = true} : memref<10112xf32, #tpu.memory_space<vmem>>[vector<16xi32>], vector<16xf32>,
        %parallel_loop3A_314 = arith.mulf %parallel_loop3A_313, %parallel_loop3A_310 : vector<16xf32>
        tpu.vector_store_idx %arg13[%parallel_loop3A_297], %parallel_loop3A_314 {add = true} : memref<10112xf32, #tpu.memory_space<vmem>>[vector<16xi32>], vector<16xf32>,
        %parallel_loop3A_315 = arith.mulf %get3A_10, %parallel_loop3A_311 : vector<16xf32>
        %parallel_loop3A_316 = math.exp %parallel_loop3A_315 : vector<16xf32>
        tpu.vector_store_idx %arg11[%parallel_loop3A_297], %parallel_loop3A_316 {add = true} : memref<10112xf32, #tpu.memory_space<vmem>>[vector<16xi32>], vector<16xf32>,
        %parallel_loop3A_317 = arith.mulf %parallel_loop3A_316, %parallel_loop3A_311 : vector<16xf32>
        tpu.vector_store_idx %arg15[%parallel_loop3A_297], %parallel_loop3A_317 {add = true} : memref<10112xf32, #tpu.memory_space<vmem>>[vector<16xi32>], vector<16xf32>,
      } {sc.loop_unroll_factor = 4 : i64, sc.parallel_access}
      %add3A_284 = arith.constant 2 : i32
      %add3A_285 = arith.addi %add3A_260, %add3A_284 : i32
      %lt3A_286 = arith.constant 100 : i32
      %lt3A_287 = arith.cmpi slt, %add3A_285, %lt3A_286 : i32
      %convert_element_type3A_288 = arith.extui %lt3A_287 : i1 to i32
      %cond3A_289 = arith.constant 0 : i32
      %cond3A_290 = arith.cmpi ne, %convert_element_type3A_288, %cond3A_289 : i32
      scf.if %cond3A_290 {
        %add3A_291 = arith.constant 2 : i32
        %add3A_292 = arith.addi %add3A_260, %add3A_291 : i32
        %mul3A_293 = arith.constant 3200 : i32
        %mul3A_294 = arith.muli %add3A_292, %mul3A_293 : i32
        %dma_start3A_295 = arith.constant 0 : i32
        %dma_start3A_296 = arith.constant 2 : i32
        %dma_start3A_297 = tpu.memref_slice %arg3[%dma_start3A_295, %mul3A_294] : memref<2x320000xi32, #tpu.memory_space<hbm>> -> memref<1x3200xi32, #tpu.memory_space<hbm>>
        %dma_start3A_298 = tpu.memref_squeeze %dma_start3A_297 : memref<1x3200xi32, #tpu.memory_space<hbm>> -> memref<3200xi32, #tpu.memory_space<hbm>>
        %dma_start3A_299 = tpu.memref_slice %arg21[%dma_start3A_296] : memref<4x!tpu.dma_semaphore, #tpu.memory_space<semaphore_mem>> -> memref<1x!tpu.dma_semaphore, #tpu.memory_space<semaphore_mem>>
        %dma_start3A_300 = tpu.memref_squeeze %dma_start3A_299 : memref<1x!tpu.dma_semaphore, #tpu.memory_space<semaphore_mem>> -> memref<!tpu.dma_semaphore, #tpu.memory_space<semaphore_mem>>
        %dma_start3A_301 = tpu.memref_slice %arg3[%dma_start3A_295, %mul3A_294] : memref<2x320000xi32, #tpu.memory_space<hbm>> -> memref<1x3200xi32, #tpu.memory_space<hbm>>
        %dma_start3A_302 = tpu.memref_squeeze %dma_start3A_301 : memref<1x3200xi32, #tpu.memory_space<hbm>> -> memref<3200xi32, #tpu.memory_space<hbm>>
        tpu.enqueue_dma source(%dma_start3A_302 : memref<3200xi32, #tpu.memory_space<hbm>>) target(%arg17 : memref<3200xi32, #tpu.memory_space<vmem>>) target_semaphore(%dma_start3A_300 : memref<!tpu.dma_semaphore, #tpu.memory_space<semaphore_mem>>)
        %dma_start3A_303 = arith.constant 1 : i32
        %dma_start3A_304 = arith.constant 3 : i32
        %dma_start3A_305 = tpu.memref_slice %arg3[%dma_start3A_303, %mul3A_294] : memref<2x320000xi32, #tpu.memory_space<hbm>> -> memref<1x3200xi32, #tpu.memory_space<hbm>>
        %dma_start3A_306 = tpu.memref_squeeze %dma_start3A_305 : memref<1x3200xi32, #tpu.memory_space<hbm>> -> memref<3200xi32, #tpu.memory_space<hbm>>
        %dma_start3A_307 = tpu.memref_slice %arg21[%dma_start3A_304] : memref<4x!tpu.dma_semaphore, #tpu.memory_space<semaphore_mem>> -> memref<1x!tpu.dma_semaphore, #tpu.memory_space<semaphore_mem>>
        %dma_start3A_308 = tpu.memref_squeeze %dma_start3A_307 : memref<1x!tpu.dma_semaphore, #tpu.memory_space<semaphore_mem>> -> memref<!tpu.dma_semaphore, #tpu.memory_space<semaphore_mem>>
        %dma_start3A_309 = tpu.memref_slice %arg3[%dma_start3A_303, %mul3A_294] : memref<2x320000xi32, #tpu.memory_space<hbm>> -> memref<1x3200xi32, #tpu.memory_space<hbm>>
        %dma_start3A_310 = tpu.memref_squeeze %dma_start3A_309 : memref<1x3200xi32, #tpu.memory_space<hbm>> -> memref<3200xi32, #tpu.memory_space<hbm>>
        tpu.enqueue_dma source(%dma_start3A_310 : memref<3200xi32, #tpu.memory_space<hbm>>) target(%arg19 : memref<3200xi32, #tpu.memory_space<vmem>>) target_semaphore(%dma_start3A_308 : memref<!tpu.dma_semaphore, #tpu.memory_space<semaphore_mem>>)
      } else {
      }
    }
    %scan3A_53 = arith.constant 50 : i32
    %mul3A_54 = arith.constant 2 : i32
    %mul3A_55 = arith.muli %mul3A_54, %add3A : i32
    %add3A_56 = arith.constant 0 : i32
    %add3A_57 = arith.addi %mul3A_55, %add3A_56 : i32
    %mul3A_58 = arith.constant 2 : i32
    %mul3A_59 = arith.muli %mul3A_58, %add3A : i32
    %add3A_60 = arith.constant 64 : i32
    %add3A_61 = arith.addi %add3A_60, %mul3A_59 : i32
    %add3A_62 = arith.constant 0 : i32
    %add3A_63 = arith.addi %add3A_61, %add3A_62 : i32
    %add3A_64 = arith.constant 128 : i32
    %add3A_65 = arith.addi %add3A_64, %add3A_57 : i32
    %add3A_66 = arith.constant 128 : i32
    %add3A_67 = arith.addi %add3A_66, %add3A_63 : i32
    %mul3A_68 = arith.constant 2 : i32
    %mul3A_69 = arith.muli %mul3A_68, %add3A : i32
    %add3A_70 = arith.constant 1 : i32
    %add3A_71 = arith.addi %mul3A_69, %add3A_70 : i32
    %mul3A_72 = arith.constant 2 : i32
    %mul3A_73 = arith.muli %mul3A_72, %add3A : i32
    %add3A_74 = arith.constant 64 : i32
    %add3A_75 = arith.addi %add3A_74, %mul3A_73 : i32
    %add3A_76 = arith.constant 1 : i32
    %add3A_77 = arith.addi %add3A_75, %add3A_76 : i32
    %add3A_78 = arith.constant 128 : i32
    %add3A_79 = arith.addi %add3A_78, %add3A_71 : i32
    %add3A_80 = arith.constant 128 : i32
    %add3A_81 = arith.addi %add3A_80, %add3A_77 : i32
    %dma_start3A_82 = arith.constant 0 : i32
    %dma_start3A_83 = arith.constant 0 : i32
    %dma_start3A_84 = tpu.memref_slice %arg5[%add3A_57, %dma_start3A_83] : memref<256x10112xf32, #tpu.memory_space<hbm>> -> memref<1x10112xf32, #tpu.memory_space<hbm>>
    %dma_start3A_85 = tpu.memref_squeeze %dma_start3A_84 : memref<1x10112xf32, #tpu.memory_space<hbm>> -> memref<10112xf32, #tpu.memory_space<hbm>>
    %dma_start3A_86 = tpu.memref_slice %arg21[%dma_start3A_82] : memref<4x!tpu.dma_semaphore, #tpu.memory_space<semaphore_mem>> -> memref<1x!tpu.dma_semaphore, #tpu.memory_space<semaphore_mem>>
    %dma_start3A_87 = tpu.memref_squeeze %dma_start3A_86 : memref<1x!tpu.dma_semaphore, #tpu.memory_space<semaphore_mem>> -> memref<!tpu.dma_semaphore, #tpu.memory_space<semaphore_mem>>
    %dma_start3A_88 = arith.constant 0 : i32
    %dma_start3A_89 = tpu.memref_slice %arg5[%add3A_57, %dma_start3A_88] : memref<256x10112xf32, #tpu.memory_space<hbm>> -> memref<1x10112xf32, #tpu.memory_space<hbm>>
    %dma_start3A_90 = tpu.memref_squeeze %dma_start3A_89 : memref<1x10112xf32, #tpu.memory_space<hbm>> -> memref<10112xf32, #tpu.memory_space<hbm>>
    tpu.enqueue_dma source(%arg8 : memref<10112xf32, #tpu.memory_space<vmem>>) target(%dma_start3A_90 : memref<10112xf32, #tpu.memory_space<hbm>>) target_semaphore(%dma_start3A_87 : memref<!tpu.dma_semaphore, #tpu.memory_space<semaphore_mem>>)
    %dma_start3A_91 = arith.constant 0 : i32
    %dma_start3A_92 = arith.constant 0 : i32
    %dma_start3A_93 = tpu.memref_slice %arg5[%add3A_65, %dma_start3A_92] : memref<256x10112xf32, #tpu.memory_space<hbm>> -> memref<1x10112xf32, #tpu.memory_space<hbm>>
    %dma_start3A_94 = tpu.memref_squeeze %dma_start3A_93 : memref<1x10112xf32, #tpu.memory_space<hbm>> -> memref<10112xf32, #tpu.memory_space<hbm>>
    %dma_start3A_95 = tpu.memref_slice %arg21[%dma_start3A_91] : memref<4x!tpu.dma_semaphore, #tpu.memory_space<semaphore_mem>> -> memref<1x!tpu.dma_semaphore, #tpu.memory_space<semaphore_mem>>
    %dma_start3A_96 = tpu.memref_squeeze %dma_start3A_95 : memref<1x!tpu.dma_semaphore, #tpu.memory_space<semaphore_mem>> -> memref<!tpu.dma_semaphore, #tpu.memory_space<semaphore_mem>>
    %dma_start3A_97 = arith.constant 0 : i32
    %dma_start3A_98 = tpu.memref_slice %arg5[%add3A_65, %dma_start3A_97] : memref<256x10112xf32, #tpu.memory_space<hbm>> -> memref<1x10112xf32, #tpu.memory_space<hbm>>
    %dma_start3A_99 = tpu.memref_squeeze %dma_start3A_98 : memref<1x10112xf32, #tpu.memory_space<hbm>> -> memref<10112xf32, #tpu.memory_space<hbm>>
    tpu.enqueue_dma source(%arg12 : memref<10112xf32, #tpu.memory_space<vmem>>) target(%dma_start3A_99 : memref<10112xf32, #tpu.memory_space<hbm>>) target_semaphore(%dma_start3A_96 : memref<!tpu.dma_semaphore, #tpu.memory_space<semaphore_mem>>)
    %dma_start3A_100 = arith.constant 0 : i32
    %dma_start3A_101 = arith.constant 0 : i32
    %dma_start3A_102 = tpu.memref_slice %arg5[%add3A_63, %dma_start3A_101] : memref<256x10112xf32, #tpu.memory_space<hbm>> -> memref<1x10112xf32, #tpu.memory_space<hbm>>
    %dma_start3A_103 = tpu.memref_squeeze %dma_start3A_102 : memref<1x10112xf32, #tpu.memory_space<hbm>> -> memref<10112xf32, #tpu.memory_space<hbm>>
    %dma_start3A_104 = tpu.memref_slice %arg21[%dma_start3A_100] : memref<4x!tpu.dma_semaphore, #tpu.memory_space<semaphore_mem>> -> memref<1x!tpu.dma_semaphore, #tpu.memory_space<semaphore_mem>>
    %dma_start3A_105 = tpu.memref_squeeze %dma_start3A_104 : memref<1x!tpu.dma_semaphore, #tpu.memory_space<semaphore_mem>> -> memref<!tpu.dma_semaphore, #tpu.memory_space<semaphore_mem>>
    %dma_start3A_106 = arith.constant 0 : i32
    %dma_start3A_107 = tpu.memref_slice %arg5[%add3A_63, %dma_start3A_106] : memref<256x10112xf32, #tpu.memory_space<hbm>> -> memref<1x10112xf32, #tpu.memory_space<hbm>>
    %dma_start3A_108 = tpu.memref_squeeze %dma_start3A_107 : memref<1x10112xf32, #tpu.memory_space<hbm>> -> memref<10112xf32, #tpu.memory_space<hbm>>
    tpu.enqueue_dma source(%arg10 : memref<10112xf32, #tpu.memory_space<vmem>>) target(%dma_start3A_108 : memref<10112xf32, #tpu.memory_space<hbm>>) target_semaphore(%dma_start3A_105 : memref<!tpu.dma_semaphore, #tpu.memory_space<semaphore_mem>>)
    %dma_start3A_109 = arith.constant 0 : i32
    %dma_start3A_110 = arith.constant 0 : i32
    %dma_start3A_111 = tpu.memref_slice %arg5[%add3A_67, %dma_start3A_110] : memref<256x10112xf32, #tpu.memory_space<hbm>> -> memref<1x10112xf32, #tpu.memory_space<hbm>>
    %dma_start3A_112 = tpu.memref_squeeze %dma_start3A_111 : memref<1x10112xf32, #tpu.memory_space<hbm>> -> memref<10112xf32, #tpu.memory_space<hbm>>
    %dma_start3A_113 = tpu.memref_slice %arg21[%dma_start3A_109] : memref<4x!tpu.dma_semaphore, #tpu.memory_space<semaphore_mem>> -> memref<1x!tpu.dma_semaphore, #tpu.memory_space<semaphore_mem>>
    %dma_start3A_114 = tpu.memref_squeeze %dma_start3A_113 : memref<1x!tpu.dma_semaphore, #tpu.memory_space<semaphore_mem>> -> memref<!tpu.dma_semaphore, #tpu.memory_space<semaphore_mem>>
    %dma_start3A_115 = arith.constant 0 : i32
    %dma_start3A_116 = tpu.memref_slice %arg5[%add3A_67, %dma_start3A_115] : memref<256x10112xf32, #tpu.memory_space<hbm>> -> memref<1x10112xf32, #tpu.memory_space<hbm>>
    %dma_start3A_117 = tpu.memref_squeeze %dma_start3A_116 : memref<1x10112xf32, #tpu.memory_space<hbm>> -> memref<10112xf32, #tpu.memory_space<hbm>>
    tpu.enqueue_dma source(%arg14 : memref<10112xf32, #tpu.memory_space<vmem>>) target(%dma_start3A_117 : memref<10112xf32, #tpu.memory_space<hbm>>) target_semaphore(%dma_start3A_114 : memref<!tpu.dma_semaphore, #tpu.memory_space<semaphore_mem>>)
    %dma_start3A_118 = arith.constant 0 : i32
    %dma_start3A_119 = arith.constant 0 : i32
    %dma_start3A_120 = tpu.memref_slice %arg5[%add3A_71, %dma_start3A_119] : memref<256x10112xf32, #tpu.memory_space<hbm>> -> memref<1x10112xf32, #tpu.memory_space<hbm>>
    %dma_start3A_121 = tpu.memref_squeeze %dma_start3A_120 : memref<1x10112xf32, #tpu.memory_space<hbm>> -> memref<10112xf32, #tpu.memory_space<hbm>>
    %dma_start3A_122 = tpu.memref_slice %arg21[%dma_start3A_118] : memref<4x!tpu.dma_semaphore, #tpu.memory_space<semaphore_mem>> -> memref<1x!tpu.dma_semaphore, #tpu.memory_space<semaphore_mem>>
    %dma_start3A_123 = tpu.memref_squeeze %dma_start3A_122 : memref<1x!tpu.dma_semaphore, #tpu.memory_space<semaphore_mem>> -> memref<!tpu.dma_semaphore, #tpu.memory_space<semaphore_mem>>
    %dma_start3A_124 = arith.constant 0 : i32
    %dma_start3A_125 = tpu.memref_slice %arg5[%add3A_71, %dma_start3A_124] : memref<256x10112xf32, #tpu.memory_space<hbm>> -> memref<1x10112xf32, #tpu.memory_space<hbm>>
    %dma_start3A_126 = tpu.memref_squeeze %dma_start3A_125 : memref<1x10112xf32, #tpu.memory_space<hbm>> -> memref<10112xf32, #tpu.memory_space<hbm>>
    tpu.enqueue_dma source(%arg9 : memref<10112xf32, #tpu.memory_space<vmem>>) target(%dma_start3A_126 : memref<10112xf32, #tpu.memory_space<hbm>>) target_semaphore(%dma_start3A_123 : memref<!tpu.dma_semaphore, #tpu.memory_space<semaphore_mem>>)
    %dma_start3A_127 = arith.constant 0 : i32
    %dma_start3A_128 = arith.constant 0 : i32
    %dma_start3A_129 = tpu.memref_slice %arg5[%add3A_79, %dma_start3A_128] : memref<256x10112xf32, #tpu.memory_space<hbm>> -> memref<1x10112xf32, #tpu.memory_space<hbm>>
    %dma_start3A_130 = tpu.memref_squeeze %dma_start3A_129 : memref<1x10112xf32, #tpu.memory_space<hbm>> -> memref<10112xf32, #tpu.memory_space<hbm>>
    %dma_start3A_131 = tpu.memref_slice %arg21[%dma_start3A_127] : memref<4x!tpu.dma_semaphore, #tpu.memory_space<semaphore_mem>> -> memref<1x!tpu.dma_semaphore, #tpu.memory_space<semaphore_mem>>
    %dma_start3A_132 = tpu.memref_squeeze %dma_start3A_131 : memref<1x!tpu.dma_semaphore, #tpu.memory_space<semaphore_mem>> -> memref<!tpu.dma_semaphore, #tpu.memory_space<semaphore_mem>>
    %dma_start3A_133 = arith.constant 0 : i32
    %dma_start3A_134 = tpu.memref_slice %arg5[%add3A_79, %dma_start3A_133] : memref<256x10112xf32, #tpu.memory_space<hbm>> -> memref<1x10112xf32, #tpu.memory_space<hbm>>
    %dma_start3A_135 = tpu.memref_squeeze %dma_start3A_134 : memref<1x10112xf32, #tpu.memory_space<hbm>> -> memref<10112xf32, #tpu.memory_space<hbm>>
    tpu.enqueue_dma source(%arg13 : memref<10112xf32, #tpu.memory_space<vmem>>) target(%dma_start3A_135 : memref<10112xf32, #tpu.memory_space<hbm>>) target_semaphore(%dma_start3A_132 : memref<!tpu.dma_semaphore, #tpu.memory_space<semaphore_mem>>)
    %dma_start3A_136 = arith.constant 0 : i32
    %dma_start3A_137 = arith.constant 0 : i32
    %dma_start3A_138 = tpu.memref_slice %arg5[%add3A_77, %dma_start3A_137] : memref<256x10112xf32, #tpu.memory_space<hbm>> -> memref<1x10112xf32, #tpu.memory_space<hbm>>
    %dma_start3A_139 = tpu.memref_squeeze %dma_start3A_138 : memref<1x10112xf32, #tpu.memory_space<hbm>> -> memref<10112xf32, #tpu.memory_space<hbm>>
    %dma_start3A_140 = tpu.memref_slice %arg21[%dma_start3A_136] : memref<4x!tpu.dma_semaphore, #tpu.memory_space<semaphore_mem>> -> memref<1x!tpu.dma_semaphore, #tpu.memory_space<semaphore_mem>>
    %dma_start3A_141 = tpu.memref_squeeze %dma_start3A_140 : memref<1x!tpu.dma_semaphore, #tpu.memory_space<semaphore_mem>> -> memref<!tpu.dma_semaphore, #tpu.memory_space<semaphore_mem>>
    %dma_start3A_142 = arith.constant 0 : i32
    %dma_start3A_143 = tpu.memref_slice %arg5[%add3A_77, %dma_start3A_142] : memref<256x10112xf32, #tpu.memory_space<hbm>> -> memref<1x10112xf32, #tpu.memory_space<hbm>>
    %dma_start3A_144 = tpu.memref_squeeze %dma_start3A_143 : memref<1x10112xf32, #tpu.memory_space<hbm>> -> memref<10112xf32, #tpu.memory_space<hbm>>
    tpu.enqueue_dma source(%arg11 : memref<10112xf32, #tpu.memory_space<vmem>>) target(%dma_start3A_144 : memref<10112xf32, #tpu.memory_space<hbm>>) target_semaphore(%dma_start3A_141 : memref<!tpu.dma_semaphore, #tpu.memory_space<semaphore_mem>>)
    %dma_start3A_145 = arith.constant 0 : i32
    %dma_start3A_146 = arith.constant 0 : i32
    %dma_start3A_147 = tpu.memref_slice %arg5[%add3A_81, %dma_start3A_146] : memref<256x10112xf32, #tpu.memory_space<hbm>> -> memref<1x10112xf32, #tpu.memory_space<hbm>>
    %dma_start3A_148 = tpu.memref_squeeze %dma_start3A_147 : memref<1x10112xf32, #tpu.memory_space<hbm>> -> memref<10112xf32, #tpu.memory_space<hbm>>
    %dma_start3A_149 = tpu.memref_slice %arg21[%dma_start3A_145] : memref<4x!tpu.dma_semaphore, #tpu.memory_space<semaphore_mem>> -> memref<1x!tpu.dma_semaphore, #tpu.memory_space<semaphore_mem>>
    %dma_start3A_150 = tpu.memref_squeeze %dma_start3A_149 : memref<1x!tpu.dma_semaphore, #tpu.memory_space<semaphore_mem>> -> memref<!tpu.dma_semaphore, #tpu.memory_space<semaphore_mem>>
    %dma_start3A_151 = arith.constant 0 : i32
    %dma_start3A_152 = tpu.memref_slice %arg5[%add3A_81, %dma_start3A_151] : memref<256x10112xf32, #tpu.memory_space<hbm>> -> memref<1x10112xf32, #tpu.memory_space<hbm>>
    %dma_start3A_153 = tpu.memref_squeeze %dma_start3A_152 : memref<1x10112xf32, #tpu.memory_space<hbm>> -> memref<10112xf32, #tpu.memory_space<hbm>>
    tpu.enqueue_dma source(%arg15 : memref<10112xf32, #tpu.memory_space<vmem>>) target(%dma_start3A_153 : memref<10112xf32, #tpu.memory_space<hbm>>) target_semaphore(%dma_start3A_150 : memref<!tpu.dma_semaphore, #tpu.memory_space<semaphore_mem>>)
    %dma_wait3A = arith.constant 0 : i32
    %dma_wait3A_154 = arith.constant 0 : i32
    %dma_wait3A_155 = tpu.memref_slice %arg5[%add3A_57, %dma_wait3A_154] : memref<256x10112xf32, #tpu.memory_space<hbm>> -> memref<1x10112xf32, #tpu.memory_space<hbm>>
    %dma_wait3A_156 = tpu.memref_squeeze %dma_wait3A_155 : memref<1x10112xf32, #tpu.memory_space<hbm>> -> memref<10112xf32, #tpu.memory_space<hbm>>
    %dma_wait3A_157 = tpu.memref_slice %arg21[%dma_wait3A] : memref<4x!tpu.dma_semaphore, #tpu.memory_space<semaphore_mem>> -> memref<1x!tpu.dma_semaphore, #tpu.memory_space<semaphore_mem>>
    %dma_wait3A_158 = tpu.memref_squeeze %dma_wait3A_157 : memref<1x!tpu.dma_semaphore, #tpu.memory_space<semaphore_mem>> -> memref<!tpu.dma_semaphore, #tpu.memory_space<semaphore_mem>>
    %dma_wait3A_159 = arith.constant 0 : i32
    %dma_wait3A_160 = tpu.memref_slice %arg5[%add3A_57, %dma_wait3A_159] : memref<256x10112xf32, #tpu.memory_space<hbm>> -> memref<1x10112xf32, #tpu.memory_space<hbm>>
    %dma_wait3A_161 = tpu.memref_squeeze %dma_wait3A_160 : memref<1x10112xf32, #tpu.memory_space<hbm>> -> memref<10112xf32, #tpu.memory_space<hbm>>
    tpu.wait_dma2 semaphore(%dma_wait3A_158 : memref<!tpu.dma_semaphore, #tpu.memory_space<semaphore_mem>>) src(%arg8 : memref<10112xf32, #tpu.memory_space<vmem>>) dst(%dma_wait3A_161 : memref<10112xf32, #tpu.memory_space<hbm>>)
    %dma_wait3A_162 = arith.constant 0 : i32
    %dma_wait3A_163 = arith.constant 0 : i32
    %dma_wait3A_164 = tpu.memref_slice %arg5[%add3A_65, %dma_wait3A_163] : memref<256x10112xf32, #tpu.memory_space<hbm>> -> memref<1x10112xf32, #tpu.memory_space<hbm>>
    %dma_wait3A_165 = tpu.memref_squeeze %dma_wait3A_164 : memref<1x10112xf32, #tpu.memory_space<hbm>> -> memref<10112xf32, #tpu.memory_space<hbm>>
    %dma_wait3A_166 = tpu.memref_slice %arg21[%dma_wait3A_162] : memref<4x!tpu.dma_semaphore, #tpu.memory_space<semaphore_mem>> -> memref<1x!tpu.dma_semaphore, #tpu.memory_space<semaphore_mem>>
    %dma_wait3A_167 = tpu.memref_squeeze %dma_wait3A_166 : memref<1x!tpu.dma_semaphore, #tpu.memory_space<semaphore_mem>> -> memref<!tpu.dma_semaphore, #tpu.memory_space<semaphore_mem>>
    %dma_wait3A_168 = arith.constant 0 : i32
    %dma_wait3A_169 = tpu.memref_slice %arg5[%add3A_65, %dma_wait3A_168] : memref<256x10112xf32, #tpu.memory_space<hbm>> -> memref<1x10112xf32, #tpu.memory_space<hbm>>
    %dma_wait3A_170 = tpu.memref_squeeze %dma_wait3A_169 : memref<1x10112xf32, #tpu.memory_space<hbm>> -> memref<10112xf32, #tpu.memory_space<hbm>>
    tpu.wait_dma2 semaphore(%dma_wait3A_167 : memref<!tpu.dma_semaphore, #tpu.memory_space<semaphore_mem>>) src(%arg12 : memref<10112xf32, #tpu.memory_space<vmem>>) dst(%dma_wait3A_170 : memref<10112xf32, #tpu.memory_space<hbm>>)
    %dma_wait3A_171 = arith.constant 0 : i32
    %dma_wait3A_172 = arith.constant 0 : i32
    %dma_wait3A_173 = tpu.memref_slice %arg5[%add3A_63, %dma_wait3A_172] : memref<256x10112xf32, #tpu.memory_space<hbm>> -> memref<1x10112xf32, #tpu.memory_space<hbm>>
    %dma_wait3A_174 = tpu.memref_squeeze %dma_wait3A_173 : memref<1x10112xf32, #tpu.memory_space<hbm>> -> memref<10112xf32, #tpu.memory_space<hbm>>
    %dma_wait3A_175 = tpu.memref_slice %arg21[%dma_wait3A_171] : memref<4x!tpu.dma_semaphore, #tpu.memory_space<semaphore_mem>> -> memref<1x!tpu.dma_semaphore, #tpu.memory_space<semaphore_mem>>
    %dma_wait3A_176 = tpu.memref_squeeze %dma_wait3A_175 : memref<1x!tpu.dma_semaphore, #tpu.memory_space<semaphore_mem>> -> memref<!tpu.dma_semaphore, #tpu.memory_space<semaphore_mem>>
    %dma_wait3A_177 = arith.constant 0 : i32
    %dma_wait3A_178 = tpu.memref_slice %arg5[%add3A_63, %dma_wait3A_177] : memref<256x10112xf32, #tpu.memory_space<hbm>> -> memref<1x10112xf32, #tpu.memory_space<hbm>>
    %dma_wait3A_179 = tpu.memref_squeeze %dma_wait3A_178 : memref<1x10112xf32, #tpu.memory_space<hbm>> -> memref<10112xf32, #tpu.memory_space<hbm>>
    tpu.wait_dma2 semaphore(%dma_wait3A_176 : memref<!tpu.dma_semaphore, #tpu.memory_space<semaphore_mem>>) src(%arg10 : memref<10112xf32, #tpu.memory_space<vmem>>) dst(%dma_wait3A_179 : memref<10112xf32, #tpu.memory_space<hbm>>)
    %dma_wait3A_180 = arith.constant 0 : i32
    %dma_wait3A_181 = arith.constant 0 : i32
    %dma_wait3A_182 = tpu.memref_slice %arg5[%add3A_67, %dma_wait3A_181] : memref<256x10112xf32, #tpu.memory_space<hbm>> -> memref<1x10112xf32, #tpu.memory_space<hbm>>
    %dma_wait3A_183 = tpu.memref_squeeze %dma_wait3A_182 : memref<1x10112xf32, #tpu.memory_space<hbm>> -> memref<10112xf32, #tpu.memory_space<hbm>>
    %dma_wait3A_184 = tpu.memref_slice %arg21[%dma_wait3A_180] : memref<4x!tpu.dma_semaphore, #tpu.memory_space<semaphore_mem>> -> memref<1x!tpu.dma_semaphore, #tpu.memory_space<semaphore_mem>>
    %dma_wait3A_185 = tpu.memref_squeeze %dma_wait3A_184 : memref<1x!tpu.dma_semaphore, #tpu.memory_space<semaphore_mem>> -> memref<!tpu.dma_semaphore, #tpu.memory_space<semaphore_mem>>
    %dma_wait3A_186 = arith.constant 0 : i32
    %dma_wait3A_187 = tpu.memref_slice %arg5[%add3A_67, %dma_wait3A_186] : memref<256x10112xf32, #tpu.memory_space<hbm>> -> memref<1x10112xf32, #tpu.memory_space<hbm>>
    %dma_wait3A_188 = tpu.memref_squeeze %dma_wait3A_187 : memref<1x10112xf32, #tpu.memory_space<hbm>> -> memref<10112xf32, #tpu.memory_space<hbm>>
    tpu.wait_dma2 semaphore(%dma_wait3A_185 : memref<!tpu.dma_semaphore, #tpu.memory_space<semaphore_mem>>) src(%arg14 : memref<10112xf32, #tpu.memory_space<vmem>>) dst(%dma_wait3A_188 : memref<10112xf32, #tpu.memory_space<hbm>>)
    %dma_wait3A_189 = arith.constant 0 : i32
    %dma_wait3A_190 = arith.constant 0 : i32
    %dma_wait3A_191 = tpu.memref_slice %arg5[%add3A_71, %dma_wait3A_190] : memref<256x10112xf32, #tpu.memory_space<hbm>> -> memref<1x10112xf32, #tpu.memory_space<hbm>>
    %dma_wait3A_192 = tpu.memref_squeeze %dma_wait3A_191 : memref<1x10112xf32, #tpu.memory_space<hbm>> -> memref<10112xf32, #tpu.memory_space<hbm>>
    %dma_wait3A_193 = tpu.memref_slice %arg21[%dma_wait3A_189] : memref<4x!tpu.dma_semaphore, #tpu.memory_space<semaphore_mem>> -> memref<1x!tpu.dma_semaphore, #tpu.memory_space<semaphore_mem>>
    %dma_wait3A_194 = tpu.memref_squeeze %dma_wait3A_193 : memref<1x!tpu.dma_semaphore, #tpu.memory_space<semaphore_mem>> -> memref<!tpu.dma_semaphore, #tpu.memory_space<semaphore_mem>>
    %dma_wait3A_195 = arith.constant 0 : i32
    %dma_wait3A_196 = tpu.memref_slice %arg5[%add3A_71, %dma_wait3A_195] : memref<256x10112xf32, #tpu.memory_space<hbm>> -> memref<1x10112xf32, #tpu.memory_space<hbm>>
    %dma_wait3A_197 = tpu.memref_squeeze %dma_wait3A_196 : memref<1x10112xf32, #tpu.memory_space<hbm>> -> memref<10112xf32, #tpu.memory_space<hbm>>
    tpu.wait_dma2 semaphore(%dma_wait3A_194 : memref<!tpu.dma_semaphore, #tpu.memory_space<semaphore_mem>>) src(%arg9 : memref<10112xf32, #tpu.memory_space<vmem>>) dst(%dma_wait3A_197 : memref<10112xf32, #tpu.memory_space<hbm>>)
    %dma_wait3A_198 = arith.constant 0 : i32
    %dma_wait3A_199 = arith.constant 0 : i32
    %dma_wait3A_200 = tpu.memref_slice %arg5[%add3A_79, %dma_wait3A_199] : memref<256x10112xf32, #tpu.memory_space<hbm>> -> memref<1x10112xf32, #tpu.memory_space<hbm>>
    %dma_wait3A_201 = tpu.memref_squeeze %dma_wait3A_200 : memref<1x10112xf32, #tpu.memory_space<hbm>> -> memref<10112xf32, #tpu.memory_space<hbm>>
    %dma_wait3A_202 = tpu.memref_slice %arg21[%dma_wait3A_198] : memref<4x!tpu.dma_semaphore, #tpu.memory_space<semaphore_mem>> -> memref<1x!tpu.dma_semaphore, #tpu.memory_space<semaphore_mem>>
    %dma_wait3A_203 = tpu.memref_squeeze %dma_wait3A_202 : memref<1x!tpu.dma_semaphore, #tpu.memory_space<semaphore_mem>> -> memref<!tpu.dma_semaphore, #tpu.memory_space<semaphore_mem>>
    %dma_wait3A_204 = arith.constant 0 : i32
    %dma_wait3A_205 = tpu.memref_slice %arg5[%add3A_79, %dma_wait3A_204] : memref<256x10112xf32, #tpu.memory_space<hbm>> -> memref<1x10112xf32, #tpu.memory_space<hbm>>
    %dma_wait3A_206 = tpu.memref_squeeze %dma_wait3A_205 : memref<1x10112xf32, #tpu.memory_space<hbm>> -> memref<10112xf32, #tpu.memory_space<hbm>>
    tpu.wait_dma2 semaphore(%dma_wait3A_203 : memref<!tpu.dma_semaphore, #tpu.memory_space<semaphore_mem>>) src(%arg13 : memref<10112xf32, #tpu.memory_space<vmem>>) dst(%dma_wait3A_206 : memref<10112xf32, #tpu.memory_space<hbm>>)
    %dma_wait3A_207 = arith.constant 0 : i32
    %dma_wait3A_208 = arith.constant 0 : i32
    %dma_wait3A_209 = tpu.memref_slice %arg5[%add3A_77, %dma_wait3A_208] : memref<256x10112xf32, #tpu.memory_space<hbm>> -> memref<1x10112xf32, #tpu.memory_space<hbm>>
    %dma_wait3A_210 = tpu.memref_squeeze %dma_wait3A_209 : memref<1x10112xf32, #tpu.memory_space<hbm>> -> memref<10112xf32, #tpu.memory_space<hbm>>
    %dma_wait3A_211 = tpu.memref_slice %arg21[%dma_wait3A_207] : memref<4x!tpu.dma_semaphore, #tpu.memory_space<semaphore_mem>> -> memref<1x!tpu.dma_semaphore, #tpu.memory_space<semaphore_mem>>
    %dma_wait3A_212 = tpu.memref_squeeze %dma_wait3A_211 : memref<1x!tpu.dma_semaphore, #tpu.memory_space<semaphore_mem>> -> memref<!tpu.dma_semaphore, #tpu.memory_space<semaphore_mem>>
    %dma_wait3A_213 = arith.constant 0 : i32
    %dma_wait3A_214 = tpu.memref_slice %arg5[%add3A_77, %dma_wait3A_213] : memref<256x10112xf32, #tpu.memory_space<hbm>> -> memref<1x10112xf32, #tpu.memory_space<hbm>>
    %dma_wait3A_215 = tpu.memref_squeeze %dma_wait3A_214 : memref<1x10112xf32, #tpu.memory_space<hbm>> -> memref<10112xf32, #tpu.memory_space<hbm>>
    tpu.wait_dma2 semaphore(%dma_wait3A_212 : memref<!tpu.dma_semaphore, #tpu.memory_space<semaphore_mem>>) src(%arg11 : memref<10112xf32, #tpu.memory_space<vmem>>) dst(%dma_wait3A_215 : memref<10112xf32, #tpu.memory_space<hbm>>)
    %dma_wait3A_216 = arith.constant 0 : i32
    %dma_wait3A_217 = arith.constant 0 : i32
    %dma_wait3A_218 = tpu.memref_slice %arg5[%add3A_81, %dma_wait3A_217] : memref<256x10112xf32, #tpu.memory_space<hbm>> -> memref<1x10112xf32, #tpu.memory_space<hbm>>
    %dma_wait3A_219 = tpu.memref_squeeze %dma_wait3A_218 : memref<1x10112xf32, #tpu.memory_space<hbm>> -> memref<10112xf32, #tpu.memory_space<hbm>>
    %dma_wait3A_220 = tpu.memref_slice %arg21[%dma_wait3A_216] : memref<4x!tpu.dma_semaphore, #tpu.memory_space<semaphore_mem>> -> memref<1x!tpu.dma_semaphore, #tpu.memory_space<semaphore_mem>>
    %dma_wait3A_221 = tpu.memref_squeeze %dma_wait3A_220 : memref<1x!tpu.dma_semaphore, #tpu.memory_space<semaphore_mem>> -> memref<!tpu.dma_semaphore, #tpu.memory_space<semaphore_mem>>
    %dma_wait3A_222 = arith.constant 0 : i32
    %dma_wait3A_223 = tpu.memref_slice %arg5[%add3A_81, %dma_wait3A_222] : memref<256x10112xf32, #tpu.memory_space<hbm>> -> memref<1x10112xf32, #tpu.memory_space<hbm>>
    %dma_wait3A_224 = tpu.memref_squeeze %dma_wait3A_223 : memref<1x10112xf32, #tpu.memory_space<hbm>> -> memref<10112xf32, #tpu.memory_space<hbm>>
    tpu.wait_dma2 semaphore(%dma_wait3A_221 : memref<!tpu.dma_semaphore, #tpu.memory_space<semaphore_mem>>) src(%arg15 : memref<10112xf32, #tpu.memory_space<vmem>>) dst(%dma_wait3A_224 : memref<10112xf32, #tpu.memory_space<hbm>>)
    return
  }
}

module attributes {stable_mosaic.version = 14 : i64} {
  func.func @body(%arg0: i32, %arg1: memref<256x128xf32, #tpu.memory_space<vmem>>, %arg2: memref<128x128xf32, #tpu.memory_space<vmem>>, %arg3: memref<128x128xf32, #tpu.memory_space<vmem>>, %arg4: memref<128x128xf32, #tpu.memory_space<vmem>>) attributes {dimension_semantics = [#tpu.dimension_semantics<arbitrary>], iteration_bounds = array<i64: 79>, scalar_prefetch = 0 : i64, scratch_operands = 0 : i64, tpu.core_type = #tpu.core_type<tc>, window_params = [{transform_indices = @transform_0, window_bounds = array<i64: 256, 128>}, {transform_indices = @transform_1, window_bounds = array<i64: 128, 128>}, {pipeline_mode = #tpu.pipeline_mode<synchronous>, transform_indices = @transform_2, window_bounds = array<i64: 128, 128>}, {transform_indices = @transform_3, window_bounds = array<i64: 128, 128>}]} {
    %get3A = arith.constant 0 : index
    %get3A_0 = arith.constant 0 : index
    %get3A_1 = vector.load %arg1[%get3A, %get3A_0] : memref<256x128xf32, #tpu.memory_space<vmem>>, vector<256x128xf32>
    %slice3A = vector.extract_strided_slice %get3A_1 {offsets = [128, 0], sizes = [128, 128], strides = [1, 1]} : vector<256x128xf32> to vector<128x128xf32>
    %slice3A_2 = vector.extract_strided_slice %get3A_1 {offsets = [0, 0], sizes = [128, 128], strides = [1, 1]} : vector<256x128xf32> to vector<128x128xf32>
    %add3A = arith.constant 9.99999993E-9 : f32
    %add3A_3 = vector.broadcast %add3A : f32 to vector<128x128xf32>
    %add3A_4 = arith.addf %slice3A_2, %add3A_3 : vector<128x128xf32>
    %div3A = arith.divf %slice3A, %add3A_4 : vector<128x128xf32>
    %get3A_5 = arith.constant 0 : index
    %get3A_6 = arith.constant 0 : index
    %get3A_7 = vector.load %arg3[%get3A_5, %get3A_6] : memref<128x128xf32, #tpu.memory_space<vmem>>, vector<128x128xf32>
    %dot_general3A = arith.constant dense<0.000000e+00> : vector<128x128xf32>
    %dot_general3A_8 = tpu.matmul %div3A, %get3A_7, %dot_general3A {dimension_numbers = #tpu.dot_dimension_numbers<[0], [0], [1], [1], [0, 1, 1, 1], [], []>, transpose_lhs_hint = false} : vector<128x128xf32>, vector<128x128xf32>, vector<128x128xf32> -> vector<128x128xf32>
    %get3A_9 = arith.constant 0 : index
    %get3A_10 = arith.constant 0 : index
    %get3A_11 = vector.load %arg2[%get3A_9, %get3A_10] : memref<128x128xf32, #tpu.memory_space<vmem>>, vector<128x128xf32>
    %add3A_12 = arith.addf %dot_general3A_8, %get3A_11 : vector<128x128xf32>
    %swap3A = arith.constant 0 : index
    %swap3A_13 = arith.constant 0 : index
    %swap3A_14 = vector.load %arg4[%swap3A, %swap3A_13] : memref<128x128xf32, #tpu.memory_space<vmem>>, vector<128x128xf32>
    tpu.vector_store %arg4[%swap3A, %swap3A_13], %add3A_12 {strides = array<i32>} : memref<128x128xf32, #tpu.memory_space<vmem>>, vector<128x128xf32>,
    return
  }
  func.func @transform_0(%arg0: i32) -> (i32, i32) {
    %c0_i32 = arith.constant 0 : i32
    %c0_i32_0 = arith.constant 0 : i32
    return %c0_i32, %arg0 : i32, i32
  }
  func.func @transform_1(%arg0: i32) -> (i32, i32) {
    %c0_i32 = arith.constant 0 : i32
    %c0_i32_0 = arith.constant 0 : i32
    return %arg0, %c0_i32 : i32, i32
  }
  func.func @transform_2(%arg0: i32) -> (i32, i32) {
    %c0_i32 = arith.constant 0 : i32
    %c0_i32_0 = arith.constant 0 : i32
    %c0_i32_1 = arith.constant 0 : i32
    return %c0_i32, %c0_i32_0 : i32, i32
  }
  func.func @transform_3(%arg0: i32) -> (i32, i32) {
    %c0_i32 = arith.constant 0 : i32
    %c0_i32_0 = arith.constant 0 : i32
    return %arg0, %c0_i32 : i32, i32
  }
}

module attributes {stable_mosaic.version = 14 : i64} {
  func.func @body(%arg0: i32, %arg1: memref<128x128xf32, #tpu.memory_space<vmem>>, %arg2: memref<128x128xf32, #tpu.memory_space<vmem>>, %arg3: memref<1x128xf32, #tpu.memory_space<vmem>>, %arg4: memref<64x128xi32, #tpu.memory_space<vmem>>, %arg5: memref<128x128xf32, #tpu.memory_space<vmem>>) attributes {dimension_semantics = [#tpu.dimension_semantics<arbitrary>], iteration_bounds = array<i64: 79>, scalar_prefetch = 0 : i64, scratch_operands = 0 : i64, tpu.core_type = #tpu.core_type<tc>, window_params = [{transform_indices = @transform_0, window_bounds = array<i64: 128, 128>}, {pipeline_mode = #tpu.pipeline_mode<synchronous>, transform_indices = @transform_1, window_bounds = array<i64: 128, 128>}, {pipeline_mode = #tpu.pipeline_mode<synchronous>, transform_indices = @transform_2, window_bounds = array<i64: 1, 128>}, {transform_indices = @transform_3, window_bounds = array<i64: 64, 128>}, {transform_indices = @transform_4, window_bounds = array<i64: 128, 128>}]} {
    %get3A = arith.constant 0 : index
    %get3A_0 = arith.constant 0 : index
    %get3A_1 = vector.load %arg1[%get3A, %get3A_0] : memref<128x128xf32, #tpu.memory_space<vmem>>, vector<128x128xf32>
    %convert_element_type3A = arith.truncf %get3A_1 : vector<128x128xf32> to vector<128x128xbf16>
    %slice3A = vector.extract_strided_slice %convert_element_type3A {offsets = [0, 0], sizes = [128, 64], strides = [1, 1]} : vector<128x128xbf16> to vector<128x64xbf16>
    %bitcast_convert_type3A = tpu.bitcast %slice3A : vector<128x64xbf16> -> vector<128x64xi16>
    %convert_element_type3A_2 = arith.extui %bitcast_convert_type3A : vector<128x64xi16> to vector<128x64xi32>
    %slice3A_3 = vector.extract_strided_slice %convert_element_type3A {offsets = [0, 64], sizes = [128, 64], strides = [1, 1]} : vector<128x128xbf16> to vector<128x64xbf16>
    %bitcast_convert_type3A_4 = tpu.bitcast %slice3A_3 : vector<128x64xbf16> -> vector<128x64xi16>
    %convert_element_type3A_5 = arith.extui %bitcast_convert_type3A_4 : vector<128x64xi16> to vector<128x64xi32>
    %shift_left3A = arith.constant 16 : i32
    %shift_left3A_6 = vector.broadcast %shift_left3A : i32 to vector<128x64xi32>
    %shift_left3A_7 = arith.shli %convert_element_type3A_5, %shift_left3A_6 : vector<128x64xi32>
    %or3A = arith.ori %convert_element_type3A_2, %shift_left3A_7 : vector<128x64xi32>
    %bitcast_convert_type3A_8 = tpu.bitcast %or3A : vector<128x64xi32> -> vector<128x64xi32>
    %transpose3A = tpu.transpose %bitcast_convert_type3A_8, [1, 0] : vector<128x64xi32> -> vector<64x128xi32>
    %swap3A = arith.constant 0 : index
    %swap3A_9 = arith.constant 0 : index
    %swap3A_10 = vector.load %arg4[%swap3A, %swap3A_9] : memref<64x128xi32, #tpu.memory_space<vmem>>, vector<64x128xi32>
    tpu.vector_store %arg4[%swap3A, %swap3A_9], %transpose3A {strides = array<i32>} : memref<64x128xi32, #tpu.memory_space<vmem>>, vector<64x128xi32>,
    %get3A_11 = arith.constant 0 : index
    %get3A_12 = arith.constant 0 : index
    %get3A_13 = vector.load %arg2[%get3A_11, %get3A_12] : memref<128x128xf32, #tpu.memory_space<vmem>>, vector<128x128xf32>
    %dot_general3A = arith.constant dense<0.000000e+00> : vector<128x128xf32>
    %dot_general3A_14 = tpu.matmul %get3A_1, %get3A_13, %dot_general3A {dimension_numbers = #tpu.dot_dimension_numbers<[1], [0], [0], [1], [0, 0, 1, 1], [], []>, transpose_lhs_hint = false} : vector<128x128xf32>, vector<128x128xf32>, vector<128x128xf32> -> vector<128x128xf32>
    %get3A_15 = arith.constant 0 : index
    %get3A_16 = arith.constant 0 : index
    %get3A_17 = vector.load %arg3[%get3A_15, %get3A_16] : memref<1x128xf32, #tpu.memory_space<vmem>>, vector<1x128xf32>
    %add3A = vector.broadcast %get3A_17 : vector<1x128xf32> to vector<128x128xf32>
    %add3A_18 = arith.addf %dot_general3A_14, %add3A : vector<128x128xf32>
    %swap3A_19 = arith.constant 0 : index
    %swap3A_20 = arith.constant 0 : index
    %swap3A_21 = vector.load %arg5[%swap3A_19, %swap3A_20] : memref<128x128xf32, #tpu.memory_space<vmem>>, vector<128x128xf32>
    tpu.vector_store %arg5[%swap3A_19, %swap3A_20], %add3A_18 {strides = array<i32>} : memref<128x128xf32, #tpu.memory_space<vmem>>, vector<128x128xf32>,
    return
  }
  func.func @transform_0(%arg0: i32) -> (i32, i32) {
    %c0_i32 = arith.constant 0 : i32
    %c0_i32_0 = arith.constant 0 : i32
    return %arg0, %c0_i32 : i32, i32
  }
  func.func @transform_1(%arg0: i32) -> (i32, i32) {
    %c0_i32 = arith.constant 0 : i32
    %c0_i32_0 = arith.constant 0 : i32
    %c0_i32_1 = arith.constant 0 : i32
    return %c0_i32, %c0_i32_0 : i32, i32
  }
  func.func @transform_2(%arg0: i32) -> (i32, i32) {
    %c0_i32 = arith.constant 0 : i32
    %c0_i32_0 = arith.constant 0 : i32
    %c0_i32_1 = arith.constant 0 : i32
    return %c0_i32, %c0_i32_0 : i32, i32
  }
  func.func @transform_3(%arg0: i32) -> (i32, i32) {
    %c0_i32 = arith.constant 0 : i32
    %c0_i32_0 = arith.constant 0 : i32
    return %c0_i32, %arg0 : i32, i32
  }
  func.func @transform_4(%arg0: i32) -> (i32, i32) {
    %c0_i32 = arith.constant 0 : i32
    %c0_i32_0 = arith.constant 0 : i32
    return %arg0, %c0_i32 : i32, i32
  }
}

</mosaic_0001>

<sc_bundles>
// kernel: kernel.5.cloned.1.call-start
scs
__scs_entry_jumppad:
0x0: {  	(pc) =	sbr.rel $0x88, $3  }
0x1: {  	(tag) =	ssettag $0x0;
	lr =	simm.s32 $0x1  }
0x2: {  	[smem:$0x3F9B] =	sst lr;
	_ =	strace $0xD0000000  }
0x3: {  	_ = 	snop  }
0x4: {  	_ = 	snop  }
0x5: {  	_ = 	snop  }
0x6: {  	_ = 	snop  }
0x7: {  	_ = 	snop  }
__scs_overlays_trampoline_lowered:
0x8: {  	[smem:$0x3FAA] =	sst s0  }
0x9: {  	[smem:$0x3FAB] =	sst s1  }
0xa: {  	[smem:$0x3FAC] =	sst s2  }
0xb: {  	[smem:$0x3FAD] =	sst s3  }
0xc: {  	[smem:$0x3FAE] =	sst s4  }
0xd: {  	[smem:$0x3FAF] =	sst s5  }
0xe: {  	[smem:$0x3FB0] =	sst s6  }
0xf: {  	[smem:$0x3FB1] =	sst s7  }
0x10: {  	[smem:$0x3FB2] =	sst s8  }
0x11: {  	[smem:$0x3FB3] =	sst s9;
	s0 =	simm.s32 @!p0 $0x0  }
0x12: {  	s1 =	sld [smem:$0x3F99];
	s0 =	simm.s32 @p0 $0x1  }
0x13: {  	[smem:$0x3FB4] =	sst s0;
	s0 =	simm.s32 @!p1 $0x0  }
0x14: {  	s2 =	sld [smem:$0x3F98];
	s0 =	simm.s32 @p1 $0x1  }
0x15: {  	[smem:$0x3FB5] =	sst s0;
	s0 =	simm.s32 @!p2 $0x0  }
0x16: {  	s3 =	sld [smem:$0x3FDB];
	s0 =	simm.s32 @p2 $0x1  }
0x17: {  	s4 =	simm.s32 $0x1BF5;
	[smem:$0x3FB7] =	sst s0  }
0x18: {  	s0 =	sld [smem:$0x3F9A];
	_ =	swait.ge [sflag:s4], $0x0  }
0x19: {  	s7 =	sld [smem:$0x3F9B]  }
0x1a: {  	s8 =	sadd.s32 $0xFFFFE003, lr  }
0x1b: {  	s9 =	sadd.s32 $0xFFFFFEF7, lr;
	s5 =	simm.s32 $0xFFFFFFFF;
	p2 =	slt.u32 s8, $0xFFFFF086  }
0x1c: {  	p1 =	slt.u32 s9, $0xF7A;
	s5 =	simm.s32 @!p2 $0x0  }
0x1d: {  	s5 =	simm.s32 @p1 $0x1;
	p0 =	seq.s32 s7, s2  }
0x1e: {  	s7 =	smul.u32 @!p0 $0xF7A, s2;
	p2 =	seq.s32 @!p0 s5, $0x0  }
0x1f: {  	s9 =	smul.u32 $0xF7A, s1;
	s8 =	simm.s32 @!p0 $0x1BF5;
	p2 =	por !p2, p0  }
0x20: {  	[sflag:s8] =	ssyncset.s32 @!p0 $0xFFFFF086;
	s6 =	sadd.s32 @!p0 s3, s7;
	s7 =	simm.s32 @!p0 $0x108  }
0x21: {  	s3 =	sadd.s32 s3, s9;
	s6 =	sadd.s32 @!p0 $0x88, s6;
	s7 =	simm.s32 @p2 $0x1082  }
0x22: {  	[simem:s7], [sflag:s8] =	dma.local @!p0 [hbm:s6], $0xF7A  }
0x23: {  	s9 =	sor.u32 $0xD0000000, s2;
	s6 =	simm.s32 $0x108;
	_ =	swait.ge @!p0 [sflag:s8], $0x0  }
0x24: {  	s3 =	sadd.s32 $0x88, s3;
	s6 =	simm.s32 @!p1 $0x1082;
	[sflag:s4] =	ssyncset.s32 $0xFFFFF086  }
0x25: {  	[simem:s6], [sflag:s4] =	dma.local [hbm:s3], $0xF7A  }
0x26: {  	[smem:$0x3F9B] =	sst s1;
	(tag) =	ssettag s2;
	_ =	strace s9  }
0x27: {  	s1 =	sld [smem:$0x3FAB]  }
0x28: {  	s2 =	sld [smem:$0x3FAC]  }
0x29: {  	s4 =	sld [smem:$0x3FAE]  }
0x2a: {  	p0 =	seq.s32 s5, $0x0;
	s5 =	sld [smem:$0x3FAF]  }
0x2b: {  	s6 =	sld [smem:$0x3FB0]  }
0x2c: {  	s7 =	sld [smem:$0x3FB1]  }
0x2d: {  	s3 =	simm.s32 $0x108;
	s8 =	sld [smem:$0x3FB2]  }
0x2e: {  	s3 =	simm.s32 @!p0 $0x1082;
	s9 =	sld [smem:$0x3FB3]  }
0x2f: {  	lr =	sadd.s32 s0, s3;
	s0 =	sld [smem:$0x3FAA]  }
0x30: {  	s3 =	sld [smem:$0x3FAD]  }
0x31: {  	[smem:$0x3FB6] =	sst s10  }
0x32: {  	s10 =	sld [smem:$0x3FB4];
	_ =	sdelay $0x3  }
0x33: {  	p0 =	seq.s32 s10, $0x1;
	s10 =	sld [smem:$0x3FB6];
	_ =	sdelay $0x3  }
0x34: {  	[smem:$0x3FB6] =	sst s10  }
0x35: {  	s10 =	sld [smem:$0x3FB5];
	_ =	sdelay $0x3  }
0x36: {  	p1 =	seq.s32 s10, $0x1;
	s10 =	sld [smem:$0x3FB6];
	_ =	sdelay $0x3  }
0x37: {  	[smem:$0x3FB6] =	sst s10  }
0x38: {  	s10 =	sld [smem:$0x3FB7]  }
0x39: {  	_ = 	snop;
	(pc) =	sbr.ind lr, $3  }
0x3a: {  	_ = 	snop  }
0x3b: {  	_ = 	snop  }
0x3c: {  	p2 =	seq.s32 s10, $0x1;
	s10 =	sld [smem:$0x3FB6]  }
0x3d: {  	_ =	shalt  }
0x3e: {  	_ =	shalt  }
0x3f: {  	_ =	shalt  }
0x40: {  	_ =	shalt  }
0x41: {  	_ =	shalt  }
0x42: {  	_ =	shalt  }
0x43: {  	_ =	shalt  }
0x44: {  	_ =	shalt  }
0x45: {  	_ =	shalt  }
0x46: {  	_ =	shalt  }
0x47: {  	_ =	shalt  }
0x48: {  	_ =	shalt  }
0x49: {  	_ =	shalt  }
0x4a: {  	_ =	shalt  }
0x4b: {  	_ =	shalt  }
0x4c: {  	_ =	shalt  }
0x4d: {  	_ =	shalt  }
0x4e: {  	_ =	shalt  }
0x4f: {  	_ =	shalt  }
0x50: {  	_ =	shalt  }
0x51: {  	_ =	shalt  }
0x52: {  	_ =	shalt  }
0x53: {  	_ =	shalt  }
0x54: {  	_ =	shalt  }
0x55: {  	_ =	shalt  }
0x56: {  	_ =	shalt  }
0x57: {  	_ =	shalt  }
0x58: {  	_ =	shalt  }
0x59: {  	_ =	shalt  }
0x5a: {  	_ =	shalt  }
0x5b: {  	_ =	shalt  }
0x5c: {  	_ =	shalt  }
0x5d: {  	_ =	shalt  }
0x5e: {  	_ =	shalt  }
0x5f: {  	_ =	shalt  }
0x60: {  	_ =	shalt  }
0x61: {  	_ =	shalt  }
0x62: {  	_ =	shalt  }
0x63: {  	_ =	shalt  }
0x64: {  	_ =	shalt  }
0x65: {  	_ =	shalt  }
0x66: {  	_ =	shalt  }
0x67: {  	_ =	shalt  }
0x68: {  	_ =	shalt  }
0x69: {  	_ =	shalt  }
0x6a: {  	_ =	shalt  }
0x6b: {  	_ =	shalt  }
0x6c: {  	_ =	shalt  }
0x6d: {  	_ =	shalt  }
0x6e: {  	_ =	shalt  }
0x6f: {  	_ =	shalt  }
0x70: {  	_ =	shalt  }
0x71: {  	_ =	shalt  }
0x72: {  	_ =	shalt  }
0x73: {  	_ =	shalt  }
0x74: {  	_ =	shalt  }
0x75: {  	_ =	shalt  }
0x76: {  	_ =	shalt  }
0x77: {  	_ =	shalt  }
0x78: {  	_ =	shalt  }
0x79: {  	_ =	shalt  }
0x7a: {  	_ =	shalt  }
0x7b: {  	_ =	shalt  }
0x7c: {  	_ =	shalt  }
0x7d: {  	_ =	shalt  }
0x7e: {  	_ =	shalt  }
0x7f: {  	_ =	shalt  }
0x80: {  	_ =	shalt  }
0x81: {  	_ =	shalt  }
0x82: {  	_ =	shalt  }
0x83: {  	_ =	shalt  }
0x84: {  	_ =	shalt  }
0x85: {  	_ =	shalt  }
0x86: {  	_ =	shalt  }
0x87: {  	_ =	shalt  }
.Lfunc_end0:
.L_simem_size_0:
called_computation_lowered:
.L_overlay_start_0:
0x88: {  	s2 =	sld [smem:$0x3FD9]  }
0x89: {  	s3 =	sld [smem:$0x3FFE];
	_ =	sdelay $0x1  }
0x8a: {  	s1 =	srdreg.scid  }
0x8b: {  	s0 =	sand.u32 $0x1, s1  }
0x8c: {  	s17 =	sshll.u32 s0, $0xA;
	s2 =	sadd.s32 s3, s2  }
0x8d: {  	s2 =	sadd.s32 s2, s17  }
0x8e: {  	[smem:$0x3FC2] =	sst s2  }
0x8f: {  	_ = 	snop  }
0x90: {  	s2 =	sld [smem:$0x3FC8]  }
0x91: {  	s18 =	sld [smem:$0x3FD0];
	(tm) =	ssettm $0x1  }
0x92: {  	s4 =	sld [smem:$0x3FFB];
	_ =	sdelay $0x3  }
0x93: {  	_ =	strace s4  }
0x94: {  	s4 =	sld [smem:$0x3FFC];
	_ =	sdelay $0x3  }
0x95: {  	_ =	strace s4  }
0x96: {  	s4 =	sld [smem:$0x3FFD];
	_ =	sdelay $0x3  }
0x97: {  	_ =	strace s4  }
0x98: {  	_ =	strace $0x8FFFFFFF  }
0x99: {  	s19 =	sld [smem:$0x3FDB];
	_ =	sdelay $0x1  }
0x9a: {  	s5 =	simm.s32 $_scs_section_size  }
0x9b: {  	s6 =	simm.s32 $_size__tile_overlayer_lowered;
	s7 =	simm.s32 $_tile_overlayer_lowered  }
0x9c: {  	s22 =	simm.s32 $0x1BFF;
	s21 =	sshll.u32 s7, $0x1;
	s4 =	sadd.s32 s5, s19  }
0x9d: {  	s8 =	simm.s32 $0x0;
	s20 =	sshll.u32 s6, $0x1;
	s6 =	sadd.s32 s21, s4  }
0x9e: {  	[timem:s8], [sflag:s22] =	dma.local [hbm:s6], s20  }
0x9f: {  	_ =	swait.ge [sflag:s22], s20  }
0xa0: {  	s5 =	ssub.s32 $0x0, s20;
	[sflag:s22] =	ssyncset.done $0x0  }
0xa1: {  	[sflag:s22] =	ssyncadd.s32 s5;
	_ =	sdelay $0x1  }
0xa2: {  	s23 =	simm.s32 $0x1B8B  }
0xa3: {  	_ =	swait.ge [sflag:s23], $0x1  }
0xa4: {  	[sflag:s23] =	ssyncset.done $0x0  }
0xa5: {  	s25 =	simm.s32 $0x1B8E;
	s24 =	sld [smem:$0x3FFE];
	[sflag:s23] =	ssyncadd.s32 $0xFFFFFFFF  }
0xa6: {  	s26 =	simm.s32 $execute0_lowered;
	[smem:$0x3FD2] =	sst s25  }
0xa7: {  	s6 =	sshll.u32 s26, $0x1;
	_ =	strace $0x80000046;
	[dreg:$0x1] =	wrdreg $0xFFFFFFFF  }
0xa8: {  	s28 =	simm.s32 $_size_execute0_lowered;
	s4 =	sadd.s32 s4, s6;
	[dreg:$0x0] =	wrdreg $0x0  }
0xa9: {  	s6 =	sshll.u32 s28, $0x1;
	[dreg:$0x2] =	wrdreg s4  }
0xaa: {  	[dreg:$0x3] =	wrdreg s6  }
0xab: {  	[dreg:$0x4] =	wrdreg $0xC0  }
0xac: {  	_ =	task [dreg:s8], $0x5FFFF  }
0xad: {  	[dreg:$0x1] =	wrdreg $0xFFFFFFFF  }
0xae: {  	[dreg:$0x0] =	wrdreg $0x60  }
0xaf: {  	[dreg:$0x2] =	wrdreg s18  }
0xb0: {  	[dreg:$0x3] =	wrdreg s2  }
0xb1: {  	[dreg:$0x4] =	wrdreg s24  }
0xb2: {  	[dreg:$0x5] =	wrdreg $0x9  }
0xb3: {  	_ =	task.clear_ibuf [dreg:s8], $0x6FFFF;
	_ =	strace $0x90000046  }
0xb4: {  	s29 =	simm.s32 $0x9;
	_ =	strace $0x80000048  }
0xb5: {  	_ =	swait.ge [sflag:s29], $0x1  }
0xb6: {  	[sflag:s29] =	ssyncadd.s32 $0xFFFFFFFF  }
0xb7: {  	_ =	strace $0x90000048  }
0xb8: {  	_ =	sfence  }
0xb9: {  	s30 =	sld [smem:$0x0];
	_ =	sdelay $0x2  }
0xba: {  	s31 =	sshll.u32 s1, $0xD;
	s1 =	sshrl.u32 s1, $0x2  }
0xbb: {  	s3 =	sand.u32 $0x4000, s31;
	s1 =	sadd.s32 s1, s30  }
0xbc: {  	s0 =	sor.u32 s3, s0;
	s1 =	sshll.u32 s1, $0x11  }
0xbd: {  	s0 =	sor.u32 s1, s0  }
0xbe: {  	s0 =	sadd.s32 $0x8F2B, s0  }
0xbf: {  	[sflag:s0] =	ssyncadd.remote.s32 $0x1  }
0xc0: {  	_ =	sfence.sel $0xFFFF  }
0xc1: {  	[dreg:$0x0] =	wrdreg $0xFFFFFFFF;
	(pc) =	sbr.abs _section_cstart, $3  }
0xc2: {  	[dreg:$0x1] =	wrdreg $0xFFFFFFFF  }
0xc3: {  	_ =	task.clear_ibuf [dreg:s8], $0x2FFFF;
	_ =	strace $0x9FFFFFFF  }
0xc4: {  	(tm) =	ssettm $0x7FFFFFFF  }
0xc5: {  	_ =	shalt  }
tec
execute0_lowered:
.L_overlay_start_1:
0x0: {  	(tag) =	ssettag $0x1  }
0x1: {  	s1 =	rddreg [dreg:$0x0]  }
0x2: {  	s0 =	srdreg.scid;
	s2 =	rddreg [dreg:$0x1]  }
0x3: {  	s7 =	stileid.u32;
	s5 =	rddreg [dreg:$0x2]  }
0x4: {  	s28 =	simm.s32 $0x19780;
	s29 =	simm.s32 $0x1B080;
	s30 =	simm.s32 $0x1  }
0x5: {  	s31 =	simm.s32 $0x2;
	s0 =	sand.u32 $0x1, s0;
	s4 =	sshll.u32 s7, $0x1  }
0x6: {  	s7 =	sshll.u32 s7, $0x8;
	s8 =	sadd.s32 $0x1200, s5;
	s5 =	sadd.s32 $0x1400, s5  }
0x7: {  	s17 =	sadd.s32 $0x320, s2;
	s18 =	sadd.s32 $0x330, s2;
	s3 =	sshll.u32 s0, $0x5  }
0x8: {  	s7 =	sand.u32 $0x300, s7;
	s0 =	ssub.s32 $0x2, s0;
	s4 =	sor.u32 s4, s3  }
0x9: {  	s3 =	simm.s32 $0x0;
	s14 =	sshrl.u32 s0, $0x1;
	s6 =	sshrl.u32 s4, $0x3  }
0xa: {  	[smem:$0x7FF] =	sst s3;
	s0 =	ssub.s32 s0, s14;
	s19 =	sor.u32 $0x41, s4  }
0xb: {  	s10 =	sor.u32 $0x81, s4;
	_ =	strace $0x80000047;
	[dreg:$0x4] =	wrdreg s8  }
0xc: {  	s4 =	sor.u32 $0xC1, s4;
	s6 =	smul.u32 $0x13C00, s6;
	[dreg:$0x7] =	wrdreg s17  }
0xd: {  	[dreg:$0x8] =	wrdreg s18;
	s22 =	sshrl.u32 s10, $0x3;
	s24 =	sshrl.u32 s19, $0x3  }
0xe: {  	s25 =	sshll.u32 s10, $0x7;
	s26 =	sshrl.u32 s4, $0x3;
	s4 =	sshll.u32 s4, $0x7  }
0xf: {  	s18 =	smax.u32 s0, $0x1;
	s0 =	simm.s32 $0xED00;
	s10 =	smul.u32 $0x13C00, s26  }
0x10: {  	s4 =	sand.u32 $0x380, s4;
	s26 =	simm.s32 $0x7680;
	s6 =	sor.u32 s7, s6  }
0x11: {  	s7 =	sadd.s32 $0x10, s2;
	s15 =	sshrl.u32 s6, $0x3;
	s20 =	sadd.s32 $0x13C000, s6  }
0x12: {  	s11 =	sadd.s32 $0x9E000, s6;
	s6 =	sadd.s32 $0x1DA000, s6;
	s4 =	sor.u32 s4, s10  }
0x13: {  	s10 =	simm.s32 $0x0;
	s16 =	sadd.s32 s1, s15;
	s9 =	sor.u32 $0x10, s15  }
0x14: {  	s8 =	sadd.s32 s5, s15;
	s21 =	sshrl.u32 s11, $0x3;
	s6 =	sshrl.u32 s6, $0x3  }
0x15: {  	s4 =	sshrl.u32 s4, $0x3;
	[dreg:$0x5] =	wrdreg s16;
	s1 =	sadd.s32 s1, s9  }
0x16: {  	[dreg:$0x9] =	wrdreg s8;
	s8 =	sshrl.u32 s20, $0x3;
	s6 =	sadd.s32 s5, s6  }
0x17: {  	s23 =	sadd.s32 s5, s9;
	s9 =	sand.u32 $0x380, s25;
	s17 =	sadd.s32 s5, s4  }
0x18: {  	s20 =	simm.s32 $0x5;
	s25 =	simm.s32 $0x13C00;
	[dreg:$0x6] =	wrdreg s1  }
0x19: {  	s4 =	simm.s32 $0x11480;
	s8 =	sadd.s32 s5, s8;
	[dreg:$0xc] =	wrdreg s6  }
0x1a: {  	[dreg:$0xd] =	wrdreg s23;
	s6 =	smul.u32 $0x13C00, s22;
	s1 =	sshll.u32 s19, $0x7  }
0x1b: {  	s22 =	simm.s32 $0x400;
	s23 =	simm.s32 $0x2780;
	s19 =	simm.s32 $0x9E00  }
0x1c: {  	[dreg:$0xa] =	wrdreg s8;
	s8 =	sadd.s32 s5, s21;
	s1 =	sand.u32 $0x380, s1  }
0x1d: {  	s21 =	simm.s32 $0x80;
	[dreg:$0xb] =	wrdreg s8;
	s8 =	smul.u32 $0x13C00, s24  }
.Ltmp0:
0x1e: {  	s6 =	sor.u32 s9, s6;
	s24 =	simm.s32 $0x100;
	(pc) =	sbr.rel .LBB2_1-.Ltmp0, $4  }
0x1f: {  	s9 =	simm.s32 $0x4;
	s6 =	sshrl.u32 s6, $0x3;
	s1 =	sor.u32 s1, s8  }
0x20: {  	s6 =	sadd.s32 s5, s6;
	s8 =	simm.s32 $0x3;
	s1 =	sshrl.u32 s1, $0x3  }
0x21: {  	[dreg:$0xe] =	wrdreg s6;
	s6 =	simm.s32 $0x16380;
	s1 =	sadd.s32 s5, s1  }
0x22: {  	v0 =	vimm.f32 $0.0e+00;
	s5 =	simm.s32 $0xC580;
	[dreg:$0xf] =	wrdreg s1;
	s1 =	simm.s32 $0x4F00  }
.LBB2_10:
0x23: {  	s11 =	rddreg [dreg:$0x9]  }
0x24: {  	[hbm4b:s11+s21] =	stream.strided.scatter [tilespmem:s1], [sflag:$0x1], $0x2780, s22, s21, $0x38;
	[tilespmem:$0x1BD80] =	vst v63  }
0x25: {  	s16 =	rddreg [dreg:$0xa]  }
0x26: {  	[hbm4b:s16+s21] =	stream.strided.scatter [tilespmem:s0], [sflag:$0x1], $0x2780, s22, s21, $0x38;
	[tilespmem:$0x1BD80] =	vst v63  }
0x27: {  	s12 =	rddreg [dreg:$0xb]  }
0x28: {  	[hbm4b:s12+s21] =	stream.strided.scatter [tilespmem:s19], [sflag:$0x1], $0x2780, s22, s21, $0x38;
	[tilespmem:$0x1BD80] =	vst v63  }
0x29: {  	s13 =	rddreg [dreg:$0xc]  }
0x2a: {  	[hbm4b:s13+s21] =	stream.strided.scatter [tilespmem:s25], [sflag:$0x1], $0x2780, s22, s21, $0x38;
	[tilespmem:$0x1BD80] =	vst v63  }
0x2b: {  	s14 =	rddreg [dreg:$0xd]  }
0x2c: {  	[hbm4b:s14+s21] =	stream.strided.scatter [tilespmem:s26], [sflag:$0x1], $0x2780, s22, s21, $0x38;
	[tilespmem:$0x1BD80] =	vst v63  }
0x2d: {  	s15 =	rddreg [dreg:$0xe]  }
0x2e: {  	[hbm4b:s15+s21] =	stream.strided.scatter [tilespmem:s4], [sflag:$0x1], $0x2780, s22, s21, $0x38;
	[tilespmem:$0x1BD80] =	vst v63  }
0x2f: {  	s16 =	rddreg [dreg:$0xf]  }
0x30: {  	[hbm4b:s16+s21] =	stream.strided.scatter [tilespmem:s5], [sflag:$0x1], $0x2780, s22, s21, $0x38;
	[tilespmem:$0x1BD80] =	vst v63  }
0x31: {  	_ = 	snop  }
0x32: {  	[hbm4b:s17+s21] =	stream.strided.scatter [tilespmem:s6], [sflag:$0x1], $0x2780, s22, s21, $0x38;
	[tilespmem:$0x1BD80] =	vst v63  }
0x33: {  	_ =	swait.ge [sflag:s30], $0x2780  }
0x34: {  	[sflag:s30] =	ssyncset.done $0x0  }
0x35: {  	[sflag:s30] =	ssyncadd.s32 $0xFFFFD880  }
0x36: {  	_ =	swait.ge [sflag:s30], $0x2780  }
0x37: {  	[sflag:s30] =	ssyncset.done $0x0  }
0x38: {  	[sflag:s30] =	ssyncadd.s32 $0xFFFFD880  }
0x39: {  	_ =	swait.ge [sflag:s30], $0x2780  }
0x3a: {  	[sflag:s30] =	ssyncset.done $0x0  }
0x3b: {  	[sflag:s30] =	ssyncadd.s32 $0xFFFFD880  }
0x3c: {  	_ =	swait.ge [sflag:s30], $0x2780  }
0x3d: {  	[sflag:s30] =	ssyncset.done $0x0  }
0x3e: {  	[sflag:s30] =	ssyncadd.s32 $0xFFFFD880  }
0x3f: {  	_ =	swait.ge [sflag:s30], $0x2780  }
0x40: {  	[sflag:s30] =	ssyncset.done $0x0  }
0x41: {  	[sflag:s30] =	ssyncadd.s32 $0xFFFFD880  }
0x42: {  	_ =	swait.ge [sflag:s30], $0x2780  }
0x43: {  	[sflag:s30] =	ssyncset.done $0x0  }
0x44: {  	s10 =	sadd.s32 $0x1, s10;
	[sflag:s30] =	ssyncadd.s32 $0xFFFFD880  }
0x45: {  	p0 =	sne.s32 s10, s18;
	_ =	swait.ge [sflag:s30], $0x2780  }
.Ltmp1:
0x46: {  	[sflag:s30] =	ssyncset.done $0x0;
	(pc) =	sbr.rel @!p0 .LBB2_11-.Ltmp1, $4  }
0x47: {  	[sflag:s30] =	ssyncadd.s32 $0xFFFFD880  }
0x48: {  	_ =	swait.ge [sflag:s30], $0x2780  }
0x49: {  	[sflag:s30] =	ssyncset.done $0x0  }
0x4a: {  	[sflag:s30] =	ssyncadd.s32 $0xFFFFD880  }
.LBB2_1:
0x4b: {  	s11 =	rddreg [dreg:$0x4];
	s12 =	simm.s32 $0x1BD00  }
0x4c: {  	[tilespmem:s12], [sflag:$0x5] =	stream.linear.gather [hbm4b:s11+s3], $0x80, $0x38;
	[tilespmem:$0x1BD80] =	vst v63  }
0x4d: {  	_ =	swait.ge [sflag:s20], $0x80  }
0x4e: {  	[sflag:s20] =	ssyncset.done $0x0  }
0x4f: {  	s15 =	rddreg [dreg:$0x5];
	[sflag:s20] =	ssyncadd.s32 $0xFFFFFF80  }
0x50: {  	[tilespmem:s3], [sflag:$0x5] =	stream.strided.gather [hbm4b:s15+s21], $0x2780, s22, s21, $0x38;
	[tilespmem:$0x1BD80] =	vst v63  }
0x51: {  	_ =	swait.ge [sflag:s20], $0x2780  }
0x52: {  	[sflag:s20] =	ssyncset.done $0x0  }
0x53: {  	s16 =	rddreg [dreg:$0x6];
	[sflag:s20] =	ssyncadd.s32 $0xFFFFD880  }
0x54: {  	[tilespmem:s23], [sflag:$0x5] =	stream.strided.gather [hbm4b:s16+s21], $0x2780, s22, s21, $0x38;
	[tilespmem:$0x1BD80] =	vst v63  }
0x55: {  	_ =	swait.ge [sflag:s20], $0x2780  }
0x56: {  	[sflag:s20] =	ssyncset.done $0x0  }
0x57: {  	s11 =	simm.s32 $0x0;
	s12 =	simm.s32 $0x40;
	[sflag:s20] =	ssyncadd.s32 $0xFFFFD880  }
.LBB2_2:
0x58: {  	p0 =	sne.s32 s12, $0x9DC0;
	[tilespmem:s11+$0x16380] =	vst v0  }
0x59: {  	[tilespmem:s11+$0x4F00] =	vst v0  }
0x5a: {  	[tilespmem:s11+$0xED00] =	vst v0  }
.Ltmp2:
0x5b: {  	[tilespmem:s11+$0x7680] =	vst v0;
	(pc) =	sbr.rel @p0 .LBB2_2-.Ltmp2, $4  }
0x5c: {  	[tilespmem:s11+$0x11480] =	vst v0  }
0x5d: {  	[tilespmem:s11+$0x9E00] =	vst v0  }
0x5e: {  	[tilespmem:s11+$0x13C00] =	vst v0  }
0x5f: {  	[tilespmem:s11+$0xC580] =	vst v0;
	s11 =	sshra.s32 s12, $0x2;
	s12 =	sadd.s32 $0x40, s12  }
0x60: {  	[tilespmem:s11+$0x16380] =	vst v0  }
0x61: {  	[tilespmem:s11+$0x4F00] =	vst v0  }
0x62: {  	[tilespmem:s11+$0xED00] =	vst v0  }
0x63: {  	[tilespmem:s11+$0x7680] =	vst v0  }
0x64: {  	[tilespmem:s11+$0x11480] =	vst v0  }
0x65: {  	[tilespmem:s11+$0x9E00] =	vst v0  }
0x66: {  	[tilespmem:s11+$0x13C00] =	vst v0  }
0x67: {  	[tilespmem:s11+$0xC580] =	vst v0;
	s13 =	simm.s32 $0x18B00  }
0x68: {  	v1 =	vld [tilespmem:$0x1BD00];
	[tilespmem:s13], [sflag:$0x1] =	stream.strided.gather [hbm4b:s2+s21], $0xC80, s24, s21, $0x38  }
0x69: {  	s14 =	simm.s32 $0x1A400  }
0x6a: {  	[tilespmem:s14], [sflag:$0x2] =	stream.strided.gather [hbm4b:s7+s21], $0xC80, s24, s21, $0x38;
	[tilespmem:$0x1BD80] =	vst v63  }
0x6b: {  	s15 =	rddreg [dreg:$0x7]  }
0x6c: {  	[tilespmem:s28], [sflag:$0x3] =	stream.strided.gather [hbm4b:s15+s21], $0xC80, s24, s21, $0x38;
	[tilespmem:$0x1BD80] =	vst v63  }
0x6d: {  	s11 =	simm.s32 $0x0;
	s16 =	rddreg [dreg:$0x8]  }
0x6e: {  	[tilespmem:s29], [sflag:$0x4] =	stream.strided.gather [hbm4b:s16+s21], $0xC80, s24, s21, $0x38;
	[tilespmem:$0x1BD80] =	vst v63  }
.LBB2_4:
0x6f: {  	_ =	swait.ge [sflag:s30], $0xC80  }
0x70: {  	[sflag:s30] =	ssyncset.done $0x0  }
0x71: {  	[sflag:s30] =	ssyncadd.s32 $0xFFFFF380  }
0x72: {  	_ =	swait.ge [sflag:s31], $0xC80  }
0x73: {  	[sflag:s31] =	ssyncset.done $0x0  }
0x74: {  	s12 =	simm.s32 $0x18B20;
	[sflag:s31] =	ssyncadd.s32 $0xFFFFF380  }
0x75: {  	v3 =	vld [tilespmem:s12+$0xFFFFFFE0]  }
0x76: {  	v4 =	vld [tilespmem:s12+$0x10];
	_ =	sdelay $0x2  }
0x77: {  	v9 =	vld [tilespmem:s12+$0xFFFFFFF0];
	_ =	sdelay $0x3  }
0x78: {  	v2 =	vld.idx.msk [tilespmem:v3+s3+$0x0], $0xffff  }
0x79: {  	v5 =	vld.idx.msk [tilespmem:v4+s3+$0x0], $0xffff;
	_ =	sdelay $0x2  }
0x7a: {  	v6 =	vld.idx.msk [tilespmem:v9+s3+$0x0], $0xffff  }
0x7b: {  	v7 =	vunpack.i.l.bf16.f32 v2  }
0x7c: {  	v12 =	vunpack.i.l.bf16.f32 v5;
	v8 =	vmul.f32 v7, v1  }
0x7d: {  	v10 =	vmul.f32 v12, v1  }
0x7e: {  	v8 =	vmul.f32 $1.442695020e+00, v8  }
0x7f: {  	v13 =	vunpack.i.u.bf16.f32 v6;
	v15 =	vunpack.i.u.bf16.f32 v5;
	v5 =	vmul.f32 $1.442695020e+00, v10  }
0x80: {  	v10 =	vmul.f32 v13, v1;
	(erf) = vpow2.f32 v8  }
0x81: {  	v16 =	vunpack.i.u.bf16.f32 v2;
	v2 =	vmul.f32 v15, v1  }
0x82: {  	v8 =	vmul.f32 v16, v1;
	v10 =	vmul.f32 $1.442695020e+00, v10  }
0x83: {  	v2 =	vmul.f32 $1.442695020e+00, v2;
	(erf) = vpow2.f32 v5  }
0x84: {  	s16 =	simm.s32 $0x1A420;
	v5 =	vmul.f32 $1.442695020e+00, v8;
	(erf) = vpow2.f32 v10  }
0x85: {  	v17 =	vld [tilespmem:s16+$0xFFFFFFE0];
	(erf) = vpow2.f32 v2  }
0x86: {  	(erf) = vpow2.f32 v5;
	_ =	sdelay $0x1  }
0x87: {  	v11 =	vld [tilespmem:s12+$0x0]  }
0x88: {  	v8 =	vpop (erf)  }
0x89: {  	s13 =	simm.s32 $0x18B60;
	v6 =	vunpack.i.l.bf16.f32 v6;
	v7 =	vmul.f32 v8, v7  }
0x8a: {  	v14 =	vld [tilespmem:s13+$0xFFFFFFE0];
	v10 =	vmul.f32 v6, v1  }
0x8b: {  	v5 =	vld [tilespmem:s16+$0x10];
	v19 =	vpop (erf)  }
0x8c: {  	[tilespmem:v17+s1+$0x0] =	vst.idx.add.f32.msk $0xffff, v8;
	v20 =	vpop (erf)  }
0x8d: {  	[tilespmem:v17+s0+$0x0] =	vst.idx.add.f32.msk $0xffff, v7;
	v7 =	vpop (erf)  }
0x8e: {  	v21 =	vld [tilespmem:s13+$0x10];
	v8 =	vmul.f32 $1.442695020e+00, v10;
	v10 =	vpop (erf)  }
0x8f: {  	v18 =	vld.idx.msk [tilespmem:v11+s3+$0x0], $0xffff;
	v16 =	vmul.f32 v10, v16  }
0x90: {  	[tilespmem:v17+s19+$0x0] =	vst.idx.add.f32.msk $0xffff, v10  }
0x91: {  	[tilespmem:v17+s25+$0x0] =	vst.idx.add.f32.msk $0xffff, v16  }
0x92: {  	v3 =	vld.idx.msk [tilespmem:v3+s23+$0x0], $0xffff  }
0x93: {  	(erf) = vpow2.f32 v8;
	[tilespmem:v5+s1+$0x0] =	vst.idx.add.f32.msk $0xffff, v19  }
0x94: {  	v8 =	vld [tilespmem:s13+$0xFFFFFFF0]  }
0x95: {  	v12 =	vmul.f32 v19, v12;
	v19 =	vld.idx.msk [tilespmem:v14+s3+$0x0], $0xffff  }
0x96: {  	v10 =	vld [tilespmem:s16+$0xFFFFFFF0];
	v16 =	vunpack.i.u.bf16.f32 v18  }
0x97: {  	[tilespmem:v5+s0+$0x0] =	vst.idx.add.f32.msk $0xffff, v12;
	v22 =	vmul.f32 v16, v1;
	v12 =	vunpack.i.l.bf16.f32 v3  }
0x98: {  	[tilespmem:v5+s19+$0x0] =	vst.idx.add.f32.msk $0xffff, v7;
	v23 =	vmul.f32 v12, v1  }
0x99: {  	v15 =	vmul.f32 v7, v15;
	v7 =	vld [tilespmem:s13+$0x0];
	v22 =	vmul.f32 $1.442695020e+00, v22  }
0x9a: {  	v25 =	vld.idx.msk [tilespmem:v21+s3+$0x0], $0xffff;
	v26 =	vunpack.i.u.bf16.f32 v3;
	v3 =	vmul.f32 $1.442695020e+00, v23  }
0x9b: {  	v2 =	vld [tilespmem:s16+$0x0];
	(erf) = vpow2.f32 v22  }
0x9c: {  	[tilespmem:v5+s25+$0x0] =	vst.idx.add.f32.msk $0xffff, v15;
	v24 =	vpop (erf);
	v22 =	vunpack.i.l.bf16.f32 v19;
	v15 =	vmul.f32 v26, v1;
	(erf) = vpow2.f32 v3  }
0x9d: {  	v6 =	vmul.f32 v24, v6;
	v23 =	vld.idx.msk [tilespmem:v4+s23+$0x0], $0xffff;
	v4 =	vmul.f32 v22, v1  }
0x9e: {  	v13 =	vmul.f32 v20, v13;
	[tilespmem:v10+s1+$0x0] =	vst.idx.add.f32.msk $0xffff, v24;
	v3 =	vmul.f32 $1.442695020e+00, v15;
	v15 =	vunpack.i.l.bf16.f32 v18  }
0x9f: {  	[tilespmem:v10+s0+$0x0] =	vst.idx.add.f32.msk $0xffff, v6;
	v4 =	vmul.f32 $1.442695020e+00, v4;
	v18 =	vunpack.i.l.bf16.f32 v25;
	v6 =	vmul.f32 v15, v1  }
0xa0: {  	v24 =	vld.idx.msk [tilespmem:v8+s3+$0x0], $0xffff;
	(erf) = vpow2.f32 v3;
	v3 =	vmul.f32 v18, v1  }
0xa1: {  	v27 =	vld.idx.msk [tilespmem:v7+s3+$0x0], $0xffff;
	(erf) = vpow2.f32 v4;
	v4 =	vmul.f32 $1.442695020e+00, v6  }
0xa2: {  	s12 =	simm.s32 $0x1A460;
	[tilespmem:v10+s19+$0x0] =	vst.idx.add.f32.msk $0xffff, v20  }
0xa3: {  	v6 =	vld [tilespmem:s12+$0xFFFFFFE0];
	v3 =	vmul.f32 $1.442695020e+00, v3;
	(erf) = vpow2.f32 v4  }
0xa4: {  	[tilespmem:v10+s25+$0x0] =	vst.idx.add.f32.msk $0xffff, v13;
	v13 =	vpop (erf)  }
0xa5: {  	v20 =	vld.idx.msk [tilespmem:v9+s23+$0x0], $0xffff;
	v28 =	vunpack.i.u.bf16.f32 v24;
	(erf) = vpow2.f32 v3;
	v4 =	vpop (erf)  }
0xa6: {  	v3 =	vld [tilespmem:s12+$0x10];
	v9 =	vmul.f32 v4, v12;
	v12 =	vmul.f32 v28, v1  }
0xa7: {  	[tilespmem:v17+s26+$0x0] =	vst.idx.add.f32.msk $0xffff, v4  }
0xa8: {  	v25 =	vunpack.i.u.bf16.f32 v25;
	v4 =	vld [tilespmem:s12+$0x0];
	v12 =	vmul.f32 $1.442695020e+00, v12  }
0xa9: {  	v29 =	vpop (erf);
	[tilespmem:v17+s4+$0x0] =	vst.idx.add.f32.msk $0xffff, v9;
	v9 =	vmul.f32 v25, v1  }
0xaa: {  	v30 =	vpop (erf);
	v26 =	vmul.f32 v29, v26;
	[tilespmem:v17+s5+$0x0] =	vst.idx.add.f32.msk $0xffff, v29  }
0xab: {  	v19 =	vunpack.i.u.bf16.f32 v19;
	[tilespmem:v6+s1+$0x0] =	vst.idx.add.f32.msk $0xffff, v30;
	v22 =	vmul.f32 v30, v22;
	v29 =	vmul.f32 $1.442695020e+00, v9  }
0xac: {  	[tilespmem:v17+s6+$0x0] =	vst.idx.add.f32.msk $0xffff, v26;
	v17 =	vmul.f32 v19, v1;
	(erf) = vpow2.f32 v12;
	v12 =	vpop (erf)  }
0xad: {  	v24 =	vunpack.i.l.bf16.f32 v24;
	[tilespmem:v6+s0+$0x0] =	vst.idx.add.f32.msk $0xffff, v22;
	(erf) = vpow2.f32 v29;
	v15 =	vmul.f32 v12, v15  }
0xae: {  	v31 =	vunpack.i.l.bf16.f32 v23;
	v26 =	vpop (erf);
	[tilespmem:v2+s1+$0x0] =	vst.idx.add.f32.msk $0xffff, v12;
	v12 =	vmul.f32 $1.442695020e+00, v17;
	v17 =	vmul.f32 v24, v1  }
0xaf: {  	v29 =	vmul.f32 v31, v1;
	[tilespmem:v3+s1+$0x0] =	vst.idx.add.f32.msk $0xffff, v26  }
0xb0: {  	[tilespmem:v2+s0+$0x0] =	vst.idx.add.f32.msk $0xffff, v15;
	v15 =	vmul.f32 v13, v16;
	v16 =	vmul.f32 $1.442695020e+00, v17  }
0xb1: {  	v22 =	vmul.f32 $1.442695020e+00, v29;
	(erf) = vpow2.f32 v12;
	[tilespmem:v2+s19+$0x0] =	vst.idx.add.f32.msk $0xffff, v13  }
0xb2: {  	(erf) = vpow2.f32 v16;
	[tilespmem:v2+s25+$0x0] =	vst.idx.add.f32.msk $0xffff, v15  }
0xb3: {  	s13 =	simm.s32 $0x18BA0;
	v30 =	vunpack.i.l.bf16.f32 v20;
	v15 =	vmul.f32 v26, v18;
	(erf) = vpow2.f32 v22;
	v22 =	vld.idx.msk [tilespmem:v11+s23+$0x0], $0xffff  }
0xb4: {  	v23 =	vunpack.i.u.bf16.f32 v23;
	v17 =	vmul.f32 v30, v1;
	v11 =	vld [tilespmem:s13+$0x10]  }
0xb5: {  	[tilespmem:v3+s0+$0x0] =	vst.idx.add.f32.msk $0xffff, v15;
	v15 =	vmul.f32 v23, v1  }
0xb6: {  	v9 =	vld [tilespmem:s12+$0xFFFFFFF0];
	v13 =	vmul.f32 $1.442695020e+00, v17;
	v29 =	vpop (erf)  }
0xb7: {  	v12 =	vld [tilespmem:s13+$0xFFFFFFF0];
	v16 =	vpop (erf);
	v15 =	vmul.f32 $1.442695020e+00, v15  }
0xb8: {  	(erf) = vpow2.f32 v13;
	v13 =	vld [tilespmem:s13+$0xFFFFFFE0];
	v17 =	vmul.f32 v16, v25  }
0xb9: {  	[tilespmem:v3+s19+$0x0] =	vst.idx.add.f32.msk $0xffff, v16;
	(erf) = vpow2.f32 v15  }
0xba: {  	v16 =	vpop (erf);
	[tilespmem:v3+s25+$0x0] =	vst.idx.add.f32.msk $0xffff, v17  }
0xbb: {  	v32 =	vunpack.i.l.bf16.f32 v22;
	v17 =	vmul.f32 v16, v19;
	v19 =	vld.idx.msk [tilespmem:v21+s23+$0x0], $0xffff  }
0xbc: {  	v20 =	vunpack.i.u.bf16.f32 v20;
	[tilespmem:v6+s19+$0x0] =	vst.idx.add.f32.msk $0xffff, v16;
	v16 =	vmul.f32 v32, v1  }
0xbd: {  	v34 =	vmul.f32 v20, v1;
	v18 =	vpop (erf);
	v26 =	vld.idx.msk [tilespmem:v11+s3+$0x0], $0xffff  }
0xbe: {  	[tilespmem:v6+s25+$0x0] =	vst.idx.add.f32.msk $0xffff, v17;
	v16 =	vmul.f32 $1.442695020e+00, v16;
	v36 =	vmul.f32 v18, v24;
	v24 =	vunpack.i.u.bf16.f32 v22  }
0xbf: {  	v15 =	vunpack.i.l.bf16.f32 v27;
	[tilespmem:v9+s1+$0x0] =	vst.idx.add.f32.msk $0xffff, v18;
	v22 =	vmul.f32 v24, v1  }
0xc0: {  	v21 =	vpop (erf);
	v25 =	vld.idx.msk [tilespmem:v13+s3+$0x0], $0xffff;
	(erf) = vpow2.f32 v16;
	v16 =	vunpack.i.u.bf16.f32 v27;
	v27 =	vmul.f32 $1.442695020e+00, v34  }
0xc1: {  	v18 =	vmul.f32 v29, v28;
	v33 =	vpop (erf);
	v62 =	vld.idx.msk [tilespmem:v14+s23+$0x0], $0xffff  }
0xc2: {  	[tilespmem:v5+s26+$0x0] =	vst.idx.add.f32.msk $0xffff, v21;
	v28 =	vmul.f32 $1.442695020e+00, v22;
	v63 =	vpop (erf);
	(erf) = vpow2.f32 v27  }
0xc3: {  	v14 =	vld [tilespmem:s13+$0x0]  }
0xc4: {  	v21 =	vmul.f32 v21, v31;
	[tilespmem:v10+s26+$0x0] =	vst.idx.add.f32.msk $0xffff, v33;
	(erf) = vpow2.f32 v28  }
0xc5: {  	v17 =	vmul.f32 v15, v1;
	[tilespmem:v9+s0+$0x0] =	vst.idx.add.f32.msk $0xffff, v36;
	v35 =	vmul.f32 v16, v1  }
0xc6: {  	v30 =	vmul.f32 v33, v30;
	[tilespmem:v5+s4+$0x0] =	vst.idx.add.f32.msk $0xffff, v21  }
0xc7: {  	v17 =	vmul.f32 $1.442695020e+00, v17;
	[tilespmem:v9+s19+$0x0] =	vst.idx.add.f32.msk $0xffff, v29;
	v31 =	vmul.f32 $1.442695020e+00, v35  }
0xc8: {  	[tilespmem:v10+s4+$0x0] =	vst.idx.add.f32.msk $0xffff, v30;
	v22 =	vmul.f32 v63, v23;
	v21 =	vunpack.i.u.bf16.f32 v62;
	v23 =	vunpack.i.l.bf16.f32 v62  }
0xc9: {  	[tilespmem:v5+s5+$0x0] =	vst.idx.add.f32.msk $0xffff, v63;
	v29 =	vmul.f32 v23, v1;
	v28 =	vmul.f32 v21, v1;
	v27 =	vpop (erf)  }
0xca: {  	s14 =	simm.s32 $0x8;
	(erf) = vpow2.f32 v31;
	[tilespmem:v2+s26+$0x0] =	vst.idx.add.f32.msk $0xffff, v27;
	v27 =	vmul.f32 v27, v32  }
.LBB2_5:
0xcb: {  	s14 =	sadd.s32 $0x4, s14;
	v30 =	vunpack.i.l.bf16.f32 v25;
	v31 =	vld.idx.msk [tilespmem:v12+s3+$0x0], $0xffff;
	v35 =	vmul.f32 $1.442695020e+00, v29;
	v28 =	vmul.f32 $1.442695020e+00, v28;
	s12 =	sadd.s32 $0x40, s12;
	v32 =	vpop (erf)  }
0xcc: {  	v34 =	vunpack.i.l.bf16.f32 v26;
	p0 =	slt.u32 s14, $0xC4;
	v33 =	vmul.f32 v30, v1;
	v20 =	vmul.f32 v32, v20;
	[tilespmem:v2+s4+$0x0] =	vst.idx.add.f32.msk $0xffff, v27  }
0xcd: {  	v26 =	vunpack.i.u.bf16.f32 v26;
	v27 =	vmul.f32 v34, v1;
	(erf) = vpow2.f32 v35;
	[tilespmem:v10+s5+$0x0] =	vst.idx.add.f32.msk $0xffff, v32;
	v29 =	vpop (erf)  }
0xce: {  	v32 =	vunpack.i.u.bf16.f32 v25;
	v25 =	vmul.f32 $1.442695020e+00, v33;
	[tilespmem:v10+s6+$0x0] =	vst.idx.add.f32.msk $0xffff, v20;
	v20 =	vmul.f32 v29, v24;
	v10 =	vmovc v9  }
0xcf: {  	v9 =	vmul.f32 $1.442695020e+00, v27;
	(erf) = vpow2.f32 v28;
	[tilespmem:v2+s5+$0x0] =	vst.idx.add.f32.msk $0xffff, v29  }
0xd0: {  	v27 =	vunpack.i.l.bf16.f32 v19;
	(erf) = vpow2.f32 v25;
	v25 =	vunpack.i.u.bf16.f32 v19;
	[tilespmem:v5+s6+$0x0] =	vst.idx.add.f32.msk $0xffff, v22;
	v5 =	vmovc v3  }
0xd1: {  	v24 =	vmul.f32 v27, v1;
	v19 =	vunpack.i.u.bf16.f32 v31;
	v22 =	vunpack.i.l.bf16.f32 v31;
	[tilespmem:v2+s6+$0x0] =	vst.idx.add.f32.msk $0xffff, v20;
	v2 =	vmovc v4  }
0xd2: {  	v3 =	vmul.f32 v19, v1;
	v4 =	vmul.f32 v25, v1;
	v20 =	vld.idx.msk [tilespmem:v14+s3+$0x0], $0xffff  }
0xd3: {  	v29 =	vmul.f32 v22, v1;
	v28 =	vld [tilespmem:s12+$0xFFFFFFE0];
	(erf) = vpow2.f32 v17;
	v31 =	vpop (erf)  }
0xd4: {  	v17 =	vmul.f32 v32, v1;
	v33 =	vmul.f32 $1.442695020e+00, v4;
	[tilespmem:v10+s25+$0x0] =	vst.idx.add.f32.msk $0xffff, v18  }
0xd5: {  	v35 =	vmul.f32 v31, v16;
	(erf) = vpow2.f32 v9;
	v9 =	vld.idx.msk [tilespmem:v8+s23+$0x0], $0xffff;
	v8 =	vmov v12  }
0xd6: {  	v16 =	vmul.f32 $1.442695020e+00, v3;
	v12 =	vmul.f32 $1.442695020e+00, v29;
	v3 =	vld [tilespmem:s12+$0x10];
	v4 =	vpop (erf)  }
0xd7: {  	v18 =	vmul.f32 v26, v1;
	[tilespmem:v6+s26+$0x0] =	vst.idx.add.f32.msk $0xffff, v4;
	v23 =	vmul.f32 v4, v23  }
0xd8: {  	v29 =	vmul.f32 $1.442695020e+00, v17;
	v36 =	vunpack.i.l.bf16.f32 v20;
	v4 =	vld [tilespmem:s12+$0x0];
	(erf) = vpow2.f32 v16;
	v17 =	vpop (erf)  }
0xd9: {  	v16 =	vunpack.i.u.bf16.f32 v20;
	v20 =	vmul.f32 v36, v1;
	v37 =	vpop (erf);
	[tilespmem:v6+s4+$0x0] =	vst.idx.add.f32.msk $0xffff, v23;
	v21 =	vmul.f32 v17, v21  }
0xda: {  	v18 =	vmul.f32 $1.442695020e+00, v18;
	v23 =	vmul.f32 v37, v30;
	[tilespmem:v6+s5+$0x0] =	vst.idx.add.f32.msk $0xffff, v17  }
0xdb: {  	v17 =	vmul.f32 $1.442695020e+00, v20;
	v20 =	vunpack.i.u.bf16.f32 v9;
	v30 =	vunpack.i.l.bf16.f32 v9;
	[tilespmem:v28+s1+$0x0] =	vst.idx.add.f32.msk $0xffff, v37  }
0xdc: {  	v37 =	vmul.f32 v20, v1;
	[tilespmem:v6+s6+$0x0] =	vst.idx.add.f32.msk $0xffff, v21;
	v21 =	vmul.f32 v30, v1;
	v38 =	vpop (erf);
	v6 =	vmov v28  }
0xdd: {  	v9 =	vld [tilespmem:s12+$0xFFFFFFF0];
	(erf) = vpow2.f32 v18;
	v18 =	vmul.f32 v38, v15;
	v15 =	vmov v36  }
0xde: {  	(erf) = vpow2.f32 v29;
	v28 =	vpop (erf);
	v21 =	vmul.f32 $1.442695020e+00, v21;
	[tilespmem:v2+s1+$0x0] =	vst.idx.add.f32.msk $0xffff, v38  }
0xdf: {  	v24 =	vmul.f32 $1.442695020e+00, v24;
	v29 =	vmul.f32 $1.442695020e+00, v37;
	[tilespmem:v3+s1+$0x0] =	vst.idx.add.f32.msk $0xffff, v28  }
0xe0: {  	s13 =	sadd.s32 $0x40, s13;
	v28 =	vmul.f32 v28, v34;
	(erf) = vpow2.f32 v12;
	[tilespmem:v2+s0+$0x0] =	vst.idx.add.f32.msk $0xffff, v18  }
0xe1: {  	v34 =	vmul.f32 v16, v1;
	v12 =	vld [tilespmem:s13+$0xFFFFFFF0];
	v36 =	vpop (erf)  }
0xe2: {  	[tilespmem:v6+s0+$0x0] =	vst.idx.add.f32.msk $0xffff, v23;
	v18 =	vmul.f32 v36, v19;
	(erf) = vpow2.f32 v24  }
0xe3: {  	v34 =	vmul.f32 $1.442695020e+00, v34;
	[tilespmem:v2+s19+$0x0] =	vst.idx.add.f32.msk $0xffff, v31  }
0xe4: {  	[tilespmem:v2+s25+$0x0] =	vst.idx.add.f32.msk $0xffff, v35  }
0xe5: {  	v23 =	vld.idx.msk [tilespmem:v7+s23+$0x0], $0xffff;
	(erf) = vpow2.f32 v21;
	v7 =	vmov v14  }
0xe6: {  	v14 =	vld [tilespmem:s13+$0x10];
	v19 =	vpop (erf);
	(erf) = vpow2.f32 v33  }
0xe7: {  	v21 =	vld [tilespmem:s13+$0xFFFFFFE0];
	v24 =	vmul.f32 v19, v26;
	v26 =	vpop (erf)  }
0xe8: {  	[tilespmem:v3+s0+$0x0] =	vst.idx.add.f32.msk $0xffff, v28  }
0xe9: {  	[tilespmem:v3+s19+$0x0] =	vst.idx.add.f32.msk $0xffff, v19;
	v28 =	vpop (erf)  }
0xea: {  	v31 =	vmul.f32 v26, v32;
	v32 =	vmul.f32 v28, v22;
	[tilespmem:v3+s25+$0x0] =	vst.idx.add.f32.msk $0xffff, v24  }
0xeb: {  	v24 =	vunpack.i.u.bf16.f32 v23;
	v33 =	vunpack.i.l.bf16.f32 v23;
	v19 =	vld.idx.msk [tilespmem:v11+s23+$0x0], $0xffff;
	v23 =	vpop (erf);
	v11 =	vmov v14  }
0xec: {  	[tilespmem:v6+s19+$0x0] =	vst.idx.add.f32.msk $0xffff, v26;
	v26 =	vmul.f32 v33, v1;
	v27 =	vmul.f32 v23, v27  }
0xed: {  	[tilespmem:v6+s25+$0x0] =	vst.idx.add.f32.msk $0xffff, v31;
	v31 =	vmul.f32 v24, v1  }
0xee: {  	[tilespmem:v9+s1+$0x0] =	vst.idx.add.f32.msk $0xffff, v28;
	v28 =	vmul.f32 $1.442695020e+00, v26;
	v22 =	vpop (erf)  }
0xef: {  	v26 =	vld.idx.msk [tilespmem:v14+s3+$0x0], $0xffff;
	v30 =	vmul.f32 v22, v30;
	v31 =	vmul.f32 $1.442695020e+00, v31;
	v35 =	vpop (erf)  }
0xf0: {  	[tilespmem:v10+s26+$0x0] =	vst.idx.add.f32.msk $0xffff, v22;
	v22 =	vmul.f32 v35, v25;
	(erf) = vpow2.f32 v28  }
0xf1: {  	v25 =	vld.idx.msk [tilespmem:v21+s3+$0x0], $0xffff  }
0xf2: {  	v28 =	vld.idx.msk [tilespmem:v13+s23+$0x0], $0xffff;
	(erf) = vpow2.f32 v29;
	v13 =	vmov v21  }
0xf3: {  	[tilespmem:v5+s26+$0x0] =	vst.idx.add.f32.msk $0xffff, v23  }
0xf4: {  	v14 =	vld [tilespmem:s13+$0x0];
	(erf) = vpow2.f32 v31  }
0xf5: {  	[tilespmem:v9+s0+$0x0] =	vst.idx.add.f32.msk $0xffff, v32  }
.Ltmp3:
0xf6: {  	[tilespmem:v5+s4+$0x0] =	vst.idx.add.f32.msk $0xffff, v27;
	(pc) =	sbr.rel @p0 .LBB2_5-.Ltmp3, $4  }
0xf7: {  	[tilespmem:v5+s5+$0x0] =	vst.idx.add.f32.msk $0xffff, v35  }
0xf8: {  	v21 =	vunpack.i.u.bf16.f32 v28;
	v23 =	vunpack.i.l.bf16.f32 v28;
	[tilespmem:v9+s19+$0x0] =	vst.idx.add.f32.msk $0xffff, v36  }
0xf9: {  	v29 =	vmul.f32 v23, v1;
	v28 =	vmul.f32 v21, v1;
	[tilespmem:v10+s4+$0x0] =	vst.idx.add.f32.msk $0xffff, v30;
	v27 =	vpop (erf)  }
0xfa: {  	(erf) = vpow2.f32 v34;
	[tilespmem:v2+s26+$0x0] =	vst.idx.add.f32.msk $0xffff, v27;
	v27 =	vmul.f32 v27, v33  }
0xfb: {  	_ =	sdelay $0x2  }
0xfc: {  	v30 =	vunpack.i.l.bf16.f32 v25  }
0xfd: {  	v31 =	vld.idx.msk [tilespmem:v12+s3+$0x0], $0xffff;
	v29 =	vmul.f32 $1.442695020e+00, v29;
	v32 =	vmul.f32 v30, v1  }
0xfe: {  	v28 =	vmul.f32 $1.442695020e+00, v28  }
0xff: {  	v47 =	vunpack.i.l.bf16.f32 v26;
	(erf) = vpow2.f32 v29;
	v29 =	vmul.f32 $1.442695020e+00, v32  }
0x100: {  	(erf) = vpow2.f32 v28;
	v28 =	vmul.f32 v47, v1  }
0x101: {  	v26 =	vunpack.i.u.bf16.f32 v26;
	(erf) = vpow2.f32 v29  }
0x102: {  	v29 =	vunpack.i.u.bf16.f32 v31;
	v28 =	vmul.f32 $1.442695020e+00, v28;
	(erf) = vpow2.f32 v17  }
0x103: {  	s12 =	sadd.s32 $0x40, s12;
	v25 =	vunpack.i.u.bf16.f32 v25;
	[tilespmem:v9+s25+$0x0] =	vst.idx.add.f32.msk $0xffff, v18;
	v35 =	vmul.f32 v26, v1;
	v34 =	vmul.f32 v29, v1  }
0x104: {  	v36 =	vmul.f32 v25, v1;
	v17 =	vld [tilespmem:s12+$0xFFFFFFE0];
	(erf) = vpow2.f32 v28  }
0x105: {  	v33 =	vpop (erf);
	[tilespmem:v5+s6+$0x0] =	vst.idx.add.f32.msk $0xffff, v22;
	v28 =	vmul.f32 $1.442695020e+00, v35;
	v34 =	vmul.f32 $1.442695020e+00, v34  }
0x106: {  	v20 =	vmul.f32 v33, v20;
	[tilespmem:v10+s5+$0x0] =	vst.idx.add.f32.msk $0xffff, v33;
	v48 =	vpop (erf)  }
0x107: {  	v50 =	vld.idx.msk [tilespmem:v8+s23+$0x0], $0xffff;
	v36 =	vmul.f32 $1.442695020e+00, v36;
	v49 =	vpop (erf);
	(erf) = vpow2.f32 v34  }
0x108: {  	[tilespmem:v10+s6+$0x0] =	vst.idx.add.f32.msk $0xffff, v20;
	(erf) = vpow2.f32 v28;
	v10 =	vpop (erf)  }
0x109: {  	[tilespmem:v2+s4+$0x0] =	vst.idx.add.f32.msk $0xffff, v27;
	(erf) = vpow2.f32 v36;
	v28 =	vpop (erf)  }
0x10a: {  	v5 =	vld [tilespmem:s12+$0x10];
	v18 =	vpop (erf)  }
0x10b: {  	v8 =	vunpack.i.u.bf16.f32 v19;
	v20 =	vld.idx.msk [tilespmem:v14+s3+$0x0], $0xffff;
	v51 =	vpop (erf)  }
0x10c: {  	v19 =	vunpack.i.l.bf16.f32 v19;
	v37 =	vmul.f32 v8, v1;
	[tilespmem:v17+s1+$0x0] =	vst.idx.add.f32.msk $0xffff, v18;
	v15 =	vmul.f32 v51, v15  }
0x10d: {  	v24 =	vmul.f32 v48, v24;
	v31 =	vunpack.i.l.bf16.f32 v31;
	v16 =	vmul.f32 v49, v16;
	[tilespmem:v4+s1+$0x0] =	vst.idx.add.f32.msk $0xffff, v51  }
0x10e: {  	v37 =	vmul.f32 $1.442695020e+00, v37;
	v52 =	vmul.f32 v31, v1;
	v54 =	vunpack.i.l.bf16.f32 v50;
	[tilespmem:v4+s0+$0x0] =	vst.idx.add.f32.msk $0xffff, v15  }
0x10f: {  	v41 =	vmul.f32 v54, v1;
	v38 =	vpop (erf);
	v15 =	vmul.f32 v19, v1;
	[tilespmem:v4+s19+$0x0] =	vst.idx.add.f32.msk $0xffff, v49  }
0x110: {  	v53 =	vmul.f32 $1.442695020e+00, v52;
	v18 =	vmul.f32 v18, v30;
	v39 =	vpop (erf);
	[tilespmem:v4+s25+$0x0] =	vst.idx.add.f32.msk $0xffff, v16  }
0x111: {  	v30 =	vunpack.i.l.bf16.f32 v20;
	v20 =	vunpack.i.u.bf16.f32 v20;
	v16 =	vpop (erf);
	v15 =	vmul.f32 $1.442695020e+00, v15;
	v7 =	vld.idx.msk [tilespmem:v7+s23+$0x0], $0xffff  }
0x112: {  	[tilespmem:v2+s5+$0x0] =	vst.idx.add.f32.msk $0xffff, v48;
	(erf) = vpow2.f32 v53;
	v22 =	vmul.f32 v20, v1;
	v40 =	vpop (erf)  }
0x113: {  	v34 =	vunpack.i.u.bf16.f32 v50;
	[tilespmem:v17+s0+$0x0] =	vst.idx.add.f32.msk $0xffff, v18;
	v18 =	vmul.f32 v40, v25;
	(erf) = vpow2.f32 v15  }
0x114: {  	v55 =	vmul.f32 v34, v1;
	v23 =	vmul.f32 v10, v23;
	[tilespmem:v17+s19+$0x0] =	vst.idx.add.f32.msk $0xffff, v40  }
0x115: {  	v22 =	vmul.f32 $1.442695020e+00, v22;
	v25 =	vmul.f32 v30, v1;
	[tilespmem:v17+s25+$0x0] =	vst.idx.add.f32.msk $0xffff, v18  }
0x116: {  	v18 =	vmul.f32 v28, v21;
	v21 =	vmul.f32 $1.442695020e+00, v41;
	v13 =	vld.idx.msk [tilespmem:v13+s23+$0x0], $0xffff;
	v56 =	vunpack.i.l.bf16.f32 v7  }
0x117: {  	[tilespmem:v2+s6+$0x0] =	vst.idx.add.f32.msk $0xffff, v24;
	v40 =	vmul.f32 $1.442695020e+00, v55;
	v7 =	vunpack.i.u.bf16.f32 v7;
	v15 =	vmul.f32 v56, v1  }
0x118: {  	[tilespmem:v6+s26+$0x0] =	vst.idx.add.f32.msk $0xffff, v10;
	(erf) = vpow2.f32 v21;
	v21 =	vmul.f32 v7, v1  }
0x119: {  	[tilespmem:v6+s4+$0x0] =	vst.idx.add.f32.msk $0xffff, v23;
	v23 =	vmul.f32 $1.442695020e+00, v25;
	v15 =	vmul.f32 $1.442695020e+00, v15  }
0x11a: {  	[tilespmem:v6+s5+$0x0] =	vst.idx.add.f32.msk $0xffff, v28;
	(erf) = vpow2.f32 v37;
	v2 =	vmul.f32 $1.442695020e+00, v21  }
0x11b: {  	[tilespmem:v6+s6+$0x0] =	vst.idx.add.f32.msk $0xffff, v18;
	v6 =	vpop (erf);
	v21 =	vunpack.i.l.bf16.f32 v13;
	v10 =	vunpack.i.u.bf16.f32 v13;
	(erf) = vpow2.f32 v15  }
0x11c: {  	v13 =	vmul.f32 v21, v1;
	v24 =	vmul.f32 v10, v1;
	v18 =	vpop (erf)  }
0x11d: {  	(erf) = vpow2.f32 v40;
	v19 =	vmul.f32 v18, v19  }
0x11e: {  	[tilespmem:v5+s1+$0x0] =	vst.idx.add.f32.msk $0xffff, v38;
	(erf) = vpow2.f32 v2;
	v2 =	vmul.f32 $1.442695020e+00, v13  }
0x11f: {  	v13 =	vld [tilespmem:s12+$0xFFFFFFF0];
	(erf) = vpow2.f32 v22;
	v22 =	vmul.f32 $1.442695020e+00, v24  }
0x120: {  	v15 =	vld [tilespmem:s12+$0x0];
	(erf) = vpow2.f32 v2;
	v2 =	vmul.f32 v38, v47  }
0x121: {  	[tilespmem:v3+s26+$0x0] =	vst.idx.add.f32.msk $0xffff, v18;
	(erf) = vpow2.f32 v22  }
0x122: {  	[tilespmem:v3+s4+$0x0] =	vst.idx.add.f32.msk $0xffff, v19;
	(erf) = vpow2.f32 v23;
	v23 =	vmul.f32 v16, v26  }
0x123: {  	[tilespmem:v5+s0+$0x0] =	vst.idx.add.f32.msk $0xffff, v2;
	v22 =	vpop (erf)  }
0x124: {  	[tilespmem:v5+s19+$0x0] =	vst.idx.add.f32.msk $0xffff, v16;
	v2 =	vpop (erf)  }
0x125: {  	v24 =	vmul.f32 v6, v31;
	[tilespmem:v5+s25+$0x0] =	vst.idx.add.f32.msk $0xffff, v23;
	v16 =	vpop (erf)  }
0x126: {  	[tilespmem:v9+s26+$0x0] =	vst.idx.add.f32.msk $0xffff, v22;
	v23 =	vpop (erf)  }
0x127: {  	v26 =	vmul.f32 v39, v29;
	[tilespmem:v13+s1+$0x0] =	vst.idx.add.f32.msk $0xffff, v6;
	v6 =	vpop (erf)  }
0x128: {  	v11 =	vld.idx.msk [tilespmem:v11+s23+$0x0], $0xffff;
	v25 =	vpop (erf)  }
0x129: {  	[tilespmem:v13+s0+$0x0] =	vst.idx.add.f32.msk $0xffff, v24;
	v24 =	vpop (erf)  }
0x12a: {  	[tilespmem:v13+s19+$0x0] =	vst.idx.add.f32.msk $0xffff, v39;
	v27 =	vpop (erf)  }
0x12b: {  	[tilespmem:v13+s25+$0x0] =	vst.idx.add.f32.msk $0xffff, v26;
	v26 =	vpop (erf)  }
0x12c: {  	v12 =	vld.idx.msk [tilespmem:v12+s23+$0x0], $0xffff;
	v28 =	vmul.f32 v26, v30  }
0x12d: {  	[tilespmem:v15+s1+$0x0] =	vst.idx.add.f32.msk $0xffff, v26  }
0x12e: {  	v20 =	vmul.f32 v25, v20;
	[tilespmem:v15+s0+$0x0] =	vst.idx.add.f32.msk $0xffff, v28  }
0x12f: {  	[tilespmem:v15+s19+$0x0] =	vst.idx.add.f32.msk $0xffff, v25  }
0x130: {  	[tilespmem:v15+s25+$0x0] =	vst.idx.add.f32.msk $0xffff, v20  }
0x131: {  	v22 =	vmul.f32 v22, v54;
	v20 =	vunpack.i.l.bf16.f32 v11;
	v14 =	vld.idx.msk [tilespmem:v14+s23+$0x0], $0xffff  }
0x132: {  	[tilespmem:v3+s5+$0x0] =	vst.idx.add.f32.msk $0xffff, v2;
	v2 =	vmul.f32 v2, v8;
	v25 =	vunpack.i.l.bf16.f32 v12;
	v18 =	vmul.f32 v20, v1  }
0x133: {  	[tilespmem:v9+s4+$0x0] =	vst.idx.add.f32.msk $0xffff, v22;
	v22 =	vmul.f32 v23, v34;
	v19 =	vmul.f32 v25, v1  }
0x134: {  	[tilespmem:v4+s26+$0x0] =	vst.idx.add.f32.msk $0xffff, v16;
	v7 =	vmul.f32 v6, v7;
	v18 =	vmul.f32 $1.442695020e+00, v18  }
0x135: {  	[tilespmem:v9+s5+$0x0] =	vst.idx.add.f32.msk $0xffff, v23;
	v26 =	vmul.f32 v16, v56;
	v11 =	vunpack.i.u.bf16.f32 v11;
	v19 =	vmul.f32 $1.442695020e+00, v19  }
0x136: {  	[tilespmem:v9+s6+$0x0] =	vst.idx.add.f32.msk $0xffff, v22;
	v16 =	vmul.f32 v11, v1;
	(erf) = vpow2.f32 v18;
	v18 =	vunpack.i.l.bf16.f32 v14  }
0x137: {  	[tilespmem:v4+s4+$0x0] =	vst.idx.add.f32.msk $0xffff, v26;
	v12 =	vunpack.i.u.bf16.f32 v12;
	(erf) = vpow2.f32 v19;
	v19 =	vmul.f32 v18, v1  }
0x138: {  	[tilespmem:v4+s5+$0x0] =	vst.idx.add.f32.msk $0xffff, v6;
	v9 =	vmul.f32 v12, v1;
	v8 =	vmul.f32 $1.442695020e+00, v16  }
0x139: {  	[tilespmem:v4+s6+$0x0] =	vst.idx.add.f32.msk $0xffff, v7;
	v4 =	vmul.f32 v24, v21;
	v16 =	vmul.f32 $1.442695020e+00, v19  }
0x13a: {  	[tilespmem:v3+s6+$0x0] =	vst.idx.add.f32.msk $0xffff, v2;
	v2 =	vmul.f32 $1.442695020e+00, v9;
	v3 =	vunpack.i.u.bf16.f32 v14;
	(erf) = vpow2.f32 v8  }
0x13b: {  	v6 =	vmul.f32 v3, v1;
	(erf) = vpow2.f32 v16  }
0x13c: {  	(erf) = vpow2.f32 v2;
	v2 =	vmul.f32 v27, v10  }
0x13d: {  	[tilespmem:v17+s26+$0x0] =	vst.idx.add.f32.msk $0xffff, v24  }
0x13e: {  	[tilespmem:v17+s4+$0x0] =	vst.idx.add.f32.msk $0xffff, v4;
	v4 =	vmul.f32 $1.442695020e+00, v6  }
0x13f: {  	[tilespmem:v17+s5+$0x0] =	vst.idx.add.f32.msk $0xffff, v27;
	v6 =	vpop (erf)  }
0x140: {  	[tilespmem:v17+s6+$0x0] =	vst.idx.add.f32.msk $0xffff, v2;
	v2 =	vpop (erf);
	(erf) = vpow2.f32 v4  }
0x141: {  	[tilespmem:v5+s26+$0x0] =	vst.idx.add.f32.msk $0xffff, v6;
	v4 =	vmul.f32 v6, v20  }
0x142: {  	[tilespmem:v13+s26+$0x0] =	vst.idx.add.f32.msk $0xffff, v2  }
0x143: {  	v2 =	vmul.f32 v2, v25;
	v6 =	vpop (erf);
	[tilespmem:v5+s4+$0x0] =	vst.idx.add.f32.msk $0xffff, v4  }
0x144: {  	[tilespmem:v5+s5+$0x0] =	vst.idx.add.f32.msk $0xffff, v6  }
0x145: {  	[tilespmem:v13+s4+$0x0] =	vst.idx.add.f32.msk $0xffff, v2;
	v4 =	vpop (erf)  }
0x146: {  	v2 =	vmul.f32 v4, v18;
	[tilespmem:v15+s26+$0x0] =	vst.idx.add.f32.msk $0xffff, v4;
	v4 =	vpop (erf)  }
0x147: {  	p0 =	seq.s32 s11, $0x31;
	v7 =	vmul.f32 v4, v12;
	[tilespmem:v13+s5+$0x0] =	vst.idx.add.f32.msk $0xffff, v4  }
0x148: {  	s12 =	smul.u32 @!p0 $0x3200, s11;
	[tilespmem:v15+s4+$0x0] =	vst.idx.add.f32.msk $0xffff, v2;
	v2 =	vmul.f32 v6, v11  }
0x149: {  	[tilespmem:v13+s6+$0x0] =	vst.idx.add.f32.msk $0xffff, v7;
	v4 =	vpop (erf)  }
0x14a: {  	s12 =	sshrl.u32 @!p0 s12, $0x3;
	[tilespmem:v5+s6+$0x0] =	vst.idx.add.f32.msk $0xffff, v2;
	v3 =	vmul.f32 v4, v3  }
0x14b: {  	s14 =	simm.s32 @!p0 $0x80;
	s12 =	sadd.s32 @!p0 $0x640, s12;
	[tilespmem:v15+s5+$0x0] =	vst.idx.add.f32.msk $0xffff, v4  }
0x14c: {  	s15 =	simm.s32 @!p0 $0x100;
	s16 =	simm.s32 @!p0 $0x18B00;
	s13 =	sadd.s32 @!p0 s2, s12;
	[tilespmem:v15+s6+$0x0] =	vst.idx.add.f32.msk $0xffff, v3  }
0x14d: {  	[tilespmem:s16], [sflag:$0x1] =	stream.strided.gather @!p0 [hbm4b:s13+s14], $0xC80, s15, s14, $0x38;
	[tilespmem:$0x1BD80] =	vst v63  }
0x14e: {  	s12 =	sadd.s32 @!p0 s12, s7;
	s13 =	simm.s32 @!p0 $0x1A400  }
0x14f: {  	[tilespmem:s13], [sflag:$0x2] =	stream.strided.gather @!p0 [hbm4b:s12+s14], $0xC80, s15, s14, $0x38;
	[tilespmem:$0x1BD80] =	vst v63  }
0x150: {  	_ =	swait.ge [sflag:s8], $0xC80  }
0x151: {  	[sflag:s8] =	ssyncset.done $0x0  }
0x152: {  	[sflag:s8] =	ssyncadd.s32 $0xFFFFF380  }
0x153: {  	_ =	swait.ge [sflag:s9], $0xC80  }
0x154: {  	[sflag:s9] =	ssyncset.done $0x0  }
0x155: {  	s14 =	simm.s32 $0x197A0;
	[sflag:s9] =	ssyncadd.s32 $0xFFFFF380  }
0x156: {  	v3 =	vld [tilespmem:s14+$0xFFFFFFE0]  }
0x157: {  	v4 =	vld [tilespmem:s14+$0x10];
	_ =	sdelay $0x2  }
0x158: {  	v9 =	vld [tilespmem:s14+$0xFFFFFFF0];
	_ =	sdelay $0x3  }
0x159: {  	v2 =	vld.idx.msk [tilespmem:v3+s3+$0x0], $0xffff  }
0x15a: {  	v5 =	vld.idx.msk [tilespmem:v4+s3+$0x0], $0xffff;
	_ =	sdelay $0x2  }
0x15b: {  	v6 =	vld.idx.msk [tilespmem:v9+s3+$0x0], $0xffff  }
0x15c: {  	v7 =	vunpack.i.l.bf16.f32 v2  }
0x15d: {  	v12 =	vunpack.i.l.bf16.f32 v5;
	v8 =	vmul.f32 v7, v1  }
0x15e: {  	v10 =	vmul.f32 v12, v1  }
0x15f: {  	v8 =	vmul.f32 $1.442695020e+00, v8  }
0x160: {  	v13 =	vunpack.i.u.bf16.f32 v6;
	v15 =	vunpack.i.u.bf16.f32 v5;
	v5 =	vmul.f32 $1.442695020e+00, v10  }
0x161: {  	v10 =	vmul.f32 v13, v1;
	(erf) = vpow2.f32 v8  }
0x162: {  	v16 =	vunpack.i.u.bf16.f32 v2;
	v2 =	vmul.f32 v15, v1  }
0x163: {  	v8 =	vmul.f32 v16, v1;
	v10 =	vmul.f32 $1.442695020e+00, v10  }
0x164: {  	v2 =	vmul.f32 $1.442695020e+00, v2;
	(erf) = vpow2.f32 v5  }
0x165: {  	s15 =	simm.s32 $0x1B0A0;
	v5 =	vmul.f32 $1.442695020e+00, v8;
	(erf) = vpow2.f32 v10  }
0x166: {  	v17 =	vld [tilespmem:s15+$0xFFFFFFE0];
	(erf) = vpow2.f32 v2  }
0x167: {  	(erf) = vpow2.f32 v5;
	_ =	sdelay $0x1  }
0x168: {  	v11 =	vld [tilespmem:s14+$0x0]  }
0x169: {  	v8 =	vpop (erf)  }
0x16a: {  	s16 =	simm.s32 $0x197E0;
	v6 =	vunpack.i.l.bf16.f32 v6;
	v7 =	vmul.f32 v8, v7  }
0x16b: {  	v14 =	vld [tilespmem:s16+$0xFFFFFFE0];
	v10 =	vmul.f32 v6, v1  }
0x16c: {  	v5 =	vld [tilespmem:s15+$0x10];
	v19 =	vpop (erf)  }
0x16d: {  	[tilespmem:v17+s1+$0x0] =	vst.idx.add.f32.msk $0xffff, v8;
	v20 =	vpop (erf)  }
0x16e: {  	[tilespmem:v17+s0+$0x0] =	vst.idx.add.f32.msk $0xffff, v7;
	v7 =	vpop (erf)  }
0x16f: {  	v21 =	vld [tilespmem:s16+$0x10];
	v8 =	vmul.f32 $1.442695020e+00, v10;
	v10 =	vpop (erf)  }
0x170: {  	v18 =	vld.idx.msk [tilespmem:v11+s3+$0x0], $0xffff;
	v16 =	vmul.f32 v10, v16  }
0x171: {  	[tilespmem:v17+s19+$0x0] =	vst.idx.add.f32.msk $0xffff, v10  }
0x172: {  	[tilespmem:v17+s25+$0x0] =	vst.idx.add.f32.msk $0xffff, v16  }
0x173: {  	v3 =	vld.idx.msk [tilespmem:v3+s23+$0x0], $0xffff  }
0x174: {  	(erf) = vpow2.f32 v8;
	[tilespmem:v5+s1+$0x0] =	vst.idx.add.f32.msk $0xffff, v19  }
0x175: {  	v8 =	vld [tilespmem:s16+$0xFFFFFFF0]  }
0x176: {  	v12 =	vmul.f32 v19, v12;
	v19 =	vld.idx.msk [tilespmem:v14+s3+$0x0], $0xffff  }
0x177: {  	v10 =	vld [tilespmem:s15+$0xFFFFFFF0];
	v16 =	vunpack.i.u.bf16.f32 v18  }
0x178: {  	[tilespmem:v5+s0+$0x0] =	vst.idx.add.f32.msk $0xffff, v12;
	v22 =	vmul.f32 v16, v1;
	v12 =	vunpack.i.l.bf16.f32 v3  }
0x179: {  	[tilespmem:v5+s19+$0x0] =	vst.idx.add.f32.msk $0xffff, v7;
	v23 =	vmul.f32 v12, v1  }
0x17a: {  	v15 =	vmul.f32 v7, v15;
	v7 =	vld [tilespmem:s16+$0x0];
	v22 =	vmul.f32 $1.442695020e+00, v22  }
0x17b: {  	v25 =	vld.idx.msk [tilespmem:v21+s3+$0x0], $0xffff;
	v26 =	vunpack.i.u.bf16.f32 v3;
	v3 =	vmul.f32 $1.442695020e+00, v23  }
0x17c: {  	v2 =	vld [tilespmem:s15+$0x0];
	(erf) = vpow2.f32 v22  }
0x17d: {  	[tilespmem:v5+s25+$0x0] =	vst.idx.add.f32.msk $0xffff, v15;
	v24 =	vpop (erf);
	v22 =	vunpack.i.l.bf16.f32 v19;
	v15 =	vmul.f32 v26, v1;
	(erf) = vpow2.f32 v3  }
0x17e: {  	v6 =	vmul.f32 v24, v6;
	v23 =	vld.idx.msk [tilespmem:v4+s23+$0x0], $0xffff;
	v4 =	vmul.f32 v22, v1  }
0x17f: {  	v13 =	vmul.f32 v20, v13;
	[tilespmem:v10+s1+$0x0] =	vst.idx.add.f32.msk $0xffff, v24;
	v3 =	vmul.f32 $1.442695020e+00, v15;
	v15 =	vunpack.i.l.bf16.f32 v18  }
0x180: {  	[tilespmem:v10+s0+$0x0] =	vst.idx.add.f32.msk $0xffff, v6;
	v4 =	vmul.f32 $1.442695020e+00, v4;
	v18 =	vunpack.i.l.bf16.f32 v25;
	v6 =	vmul.f32 v15, v1  }
0x181: {  	v24 =	vld.idx.msk [tilespmem:v8+s3+$0x0], $0xffff;
	(erf) = vpow2.f32 v3;
	v3 =	vmul.f32 v18, v1  }
0x182: {  	v27 =	vld.idx.msk [tilespmem:v7+s3+$0x0], $0xffff;
	(erf) = vpow2.f32 v4;
	v4 =	vmul.f32 $1.442695020e+00, v6  }
0x183: {  	s12 =	simm.s32 $0x1B0E0;
	[tilespmem:v10+s19+$0x0] =	vst.idx.add.f32.msk $0xffff, v20  }
0x184: {  	v6 =	vld [tilespmem:s12+$0xFFFFFFE0];
	v3 =	vmul.f32 $1.442695020e+00, v3;
	(erf) = vpow2.f32 v4  }
0x185: {  	[tilespmem:v10+s25+$0x0] =	vst.idx.add.f32.msk $0xffff, v13;
	v13 =	vpop (erf)  }
0x186: {  	v20 =	vld.idx.msk [tilespmem:v9+s23+$0x0], $0xffff;
	v28 =	vunpack.i.u.bf16.f32 v24;
	(erf) = vpow2.f32 v3;
	v4 =	vpop (erf)  }
0x187: {  	v3 =	vld [tilespmem:s12+$0x10];
	v9 =	vmul.f32 v4, v12;
	v12 =	vmul.f32 v28, v1  }
0x188: {  	[tilespmem:v17+s26+$0x0] =	vst.idx.add.f32.msk $0xffff, v4  }
0x189: {  	v25 =	vunpack.i.u.bf16.f32 v25;
	v4 =	vld [tilespmem:s12+$0x0];
	v12 =	vmul.f32 $1.442695020e+00, v12  }
0x18a: {  	v29 =	vpop (erf);
	[tilespmem:v17+s4+$0x0] =	vst.idx.add.f32.msk $0xffff, v9;
	v9 =	vmul.f32 v25, v1  }
0x18b: {  	v30 =	vpop (erf);
	v26 =	vmul.f32 v29, v26;
	[tilespmem:v17+s5+$0x0] =	vst.idx.add.f32.msk $0xffff, v29  }
0x18c: {  	v19 =	vunpack.i.u.bf16.f32 v19;
	[tilespmem:v6+s1+$0x0] =	vst.idx.add.f32.msk $0xffff, v30;
	v22 =	vmul.f32 v30, v22;
	v29 =	vmul.f32 $1.442695020e+00, v9  }
0x18d: {  	[tilespmem:v17+s6+$0x0] =	vst.idx.add.f32.msk $0xffff, v26;
	v17 =	vmul.f32 v19, v1;
	(erf) = vpow2.f32 v12;
	v12 =	vpop (erf)  }
0x18e: {  	v24 =	vunpack.i.l.bf16.f32 v24;
	[tilespmem:v6+s0+$0x0] =	vst.idx.add.f32.msk $0xffff, v22;
	(erf) = vpow2.f32 v29;
	v15 =	vmul.f32 v12, v15  }
0x18f: {  	v31 =	vunpack.i.l.bf16.f32 v23;
	v26 =	vpop (erf);
	[tilespmem:v2+s1+$0x0] =	vst.idx.add.f32.msk $0xffff, v12;
	v12 =	vmul.f32 $1.442695020e+00, v17;
	v17 =	vmul.f32 v24, v1  }
0x190: {  	v29 =	vmul.f32 v31, v1;
	[tilespmem:v3+s1+$0x0] =	vst.idx.add.f32.msk $0xffff, v26  }
0x191: {  	[tilespmem:v2+s0+$0x0] =	vst.idx.add.f32.msk $0xffff, v15;
	v15 =	vmul.f32 v13, v16;
	v16 =	vmul.f32 $1.442695020e+00, v17  }
0x192: {  	v22 =	vmul.f32 $1.442695020e+00, v29;
	(erf) = vpow2.f32 v12;
	[tilespmem:v2+s19+$0x0] =	vst.idx.add.f32.msk $0xffff, v13  }
0x193: {  	(erf) = vpow2.f32 v16;
	[tilespmem:v2+s25+$0x0] =	vst.idx.add.f32.msk $0xffff, v15  }
0x194: {  	s13 =	simm.s32 $0x19820;
	v30 =	vunpack.i.l.bf16.f32 v20;
	v15 =	vmul.f32 v26, v18;
	(erf) = vpow2.f32 v22;
	v22 =	vld.idx.msk [tilespmem:v11+s23+$0x0], $0xffff  }
0x195: {  	v23 =	vunpack.i.u.bf16.f32 v23;
	v17 =	vmul.f32 v30, v1;
	v11 =	vld [tilespmem:s13+$0x10]  }
0x196: {  	[tilespmem:v3+s0+$0x0] =	vst.idx.add.f32.msk $0xffff, v15;
	v15 =	vmul.f32 v23, v1  }
0x197: {  	v9 =	vld [tilespmem:s12+$0xFFFFFFF0];
	v13 =	vmul.f32 $1.442695020e+00, v17;
	v29 =	vpop (erf)  }
0x198: {  	v12 =	vld [tilespmem:s13+$0xFFFFFFF0];
	v16 =	vpop (erf);
	v15 =	vmul.f32 $1.442695020e+00, v15  }
0x199: {  	(erf) = vpow2.f32 v13;
	v13 =	vld [tilespmem:s13+$0xFFFFFFE0];
	v17 =	vmul.f32 v16, v25  }
0x19a: {  	[tilespmem:v3+s19+$0x0] =	vst.idx.add.f32.msk $0xffff, v16;
	(erf) = vpow2.f32 v15  }
0x19b: {  	v16 =	vpop (erf);
	[tilespmem:v3+s25+$0x0] =	vst.idx.add.f32.msk $0xffff, v17  }
0x19c: {  	v57 =	vunpack.i.l.bf16.f32 v22;
	v17 =	vmul.f32 v16, v19;
	v19 =	vld.idx.msk [tilespmem:v21+s23+$0x0], $0xffff  }
0x19d: {  	v20 =	vunpack.i.u.bf16.f32 v20;
	[tilespmem:v6+s19+$0x0] =	vst.idx.add.f32.msk $0xffff, v16;
	v16 =	vmul.f32 v57, v1  }
0x19e: {  	v59 =	vmul.f32 v20, v1;
	v18 =	vpop (erf);
	v26 =	vld.idx.msk [tilespmem:v11+s3+$0x0], $0xffff  }
0x19f: {  	[tilespmem:v6+s25+$0x0] =	vst.idx.add.f32.msk $0xffff, v17;
	v16 =	vmul.f32 $1.442695020e+00, v16;
	v62 =	vmul.f32 v18, v24;
	v24 =	vunpack.i.u.bf16.f32 v22  }
0x1a0: {  	v15 =	vunpack.i.l.bf16.f32 v27;
	[tilespmem:v9+s1+$0x0] =	vst.idx.add.f32.msk $0xffff, v18;
	v22 =	vmul.f32 v24, v1  }
0x1a1: {  	v21 =	vpop (erf);
	v25 =	vld.idx.msk [tilespmem:v13+s3+$0x0], $0xffff;
	(erf) = vpow2.f32 v16;
	v16 =	vunpack.i.u.bf16.f32 v27;
	v27 =	vmul.f32 $1.442695020e+00, v59  }
0x1a2: {  	v18 =	vmul.f32 v29, v28;
	v58 =	vpop (erf);
	v60 =	vld.idx.msk [tilespmem:v14+s23+$0x0], $0xffff  }
0x1a3: {  	[tilespmem:v5+s26+$0x0] =	vst.idx.add.f32.msk $0xffff, v21;
	v28 =	vmul.f32 $1.442695020e+00, v22;
	v63 =	vpop (erf);
	(erf) = vpow2.f32 v27  }
0x1a4: {  	v14 =	vld [tilespmem:s13+$0x0]  }
0x1a5: {  	v21 =	vmul.f32 v21, v31;
	[tilespmem:v10+s26+$0x0] =	vst.idx.add.f32.msk $0xffff, v58;
	(erf) = vpow2.f32 v28  }
0x1a6: {  	v17 =	vmul.f32 v15, v1;
	[tilespmem:v9+s0+$0x0] =	vst.idx.add.f32.msk $0xffff, v62;
	v61 =	vmul.f32 v16, v1  }
0x1a7: {  	v30 =	vmul.f32 v58, v30;
	[tilespmem:v5+s4+$0x0] =	vst.idx.add.f32.msk $0xffff, v21  }
0x1a8: {  	v17 =	vmul.f32 $1.442695020e+00, v17;
	[tilespmem:v9+s19+$0x0] =	vst.idx.add.f32.msk $0xffff, v29;
	v31 =	vmul.f32 $1.442695020e+00, v61  }
0x1a9: {  	[tilespmem:v10+s4+$0x0] =	vst.idx.add.f32.msk $0xffff, v30;
	v22 =	vmul.f32 v63, v23;
	v21 =	vunpack.i.u.bf16.f32 v60;
	v23 =	vunpack.i.l.bf16.f32 v60  }
0x1aa: {  	[tilespmem:v5+s5+$0x0] =	vst.idx.add.f32.msk $0xffff, v63;
	v29 =	vmul.f32 v23, v1;
	v28 =	vmul.f32 v21, v1;
	v27 =	vpop (erf)  }
0x1ab: {  	s14 =	simm.s32 $0x8;
	(erf) = vpow2.f32 v31;
	[tilespmem:v2+s26+$0x0] =	vst.idx.add.f32.msk $0xffff, v27;
	v27 =	vmul.f32 v27, v57  }
.LBB2_7:
0x1ac: {  	s14 =	sadd.s32 $0x4, s14;
	v30 =	vunpack.i.l.bf16.f32 v25;
	v31 =	vld.idx.msk [tilespmem:v12+s3+$0x0], $0xffff;
	v35 =	vmul.f32 $1.442695020e+00, v29;
	v28 =	vmul.f32 $1.442695020e+00, v28;
	s12 =	sadd.s32 $0x40, s12;
	v32 =	vpop (erf)  }
0x1ad: {  	v34 =	vunpack.i.l.bf16.f32 v26;
	p1 =	slt.u32 s14, $0xC4;
	v33 =	vmul.f32 v30, v1;
	v20 =	vmul.f32 v32, v20;
	[tilespmem:v2+s4+$0x0] =	vst.idx.add.f32.msk $0xffff, v27  }
0x1ae: {  	v26 =	vunpack.i.u.bf16.f32 v26;
	v27 =	vmul.f32 v34, v1;
	(erf) = vpow2.f32 v35;
	[tilespmem:v10+s5+$0x0] =	vst.idx.add.f32.msk $0xffff, v32;
	v29 =	vpop (erf)  }
0x1af: {  	v32 =	vunpack.i.u.bf16.f32 v25;
	v25 =	vmul.f32 $1.442695020e+00, v33;
	[tilespmem:v10+s6+$0x0] =	vst.idx.add.f32.msk $0xffff, v20;
	v20 =	vmul.f32 v29, v24;
	v10 =	vmovc v9  }
0x1b0: {  	v9 =	vmul.f32 $1.442695020e+00, v27;
	(erf) = vpow2.f32 v28;
	[tilespmem:v2+s5+$0x0] =	vst.idx.add.f32.msk $0xffff, v29  }
0x1b1: {  	v27 =	vunpack.i.l.bf16.f32 v19;
	(erf) = vpow2.f32 v25;
	v25 =	vunpack.i.u.bf16.f32 v19;
	[tilespmem:v5+s6+$0x0] =	vst.idx.add.f32.msk $0xffff, v22;
	v5 =	vmovc v3  }
0x1b2: {  	v24 =	vmul.f32 v27, v1;
	v19 =	vunpack.i.u.bf16.f32 v31;
	v22 =	vunpack.i.l.bf16.f32 v31;
	[tilespmem:v2+s6+$0x0] =	vst.idx.add.f32.msk $0xffff, v20;
	v2 =	vmovc v4  }
0x1b3: {  	v3 =	vmul.f32 v19, v1;
	v4 =	vmul.f32 v25, v1;
	v20 =	vld.idx.msk [tilespmem:v14+s3+$0x0], $0xffff  }
0x1b4: {  	v29 =	vmul.f32 v22, v1;
	v28 =	vld [tilespmem:s12+$0xFFFFFFE0];
	(erf) = vpow2.f32 v17;
	v31 =	vpop (erf)  }
0x1b5: {  	v17 =	vmul.f32 v32, v1;
	v33 =	vmul.f32 $1.442695020e+00, v4;
	[tilespmem:v10+s25+$0x0] =	vst.idx.add.f32.msk $0xffff, v18  }
0x1b6: {  	v35 =	vmul.f32 v31, v16;
	(erf) = vpow2.f32 v9;
	v9 =	vld.idx.msk [tilespmem:v8+s23+$0x0], $0xffff;
	v8 =	vmov v12  }
0x1b7: {  	v16 =	vmul.f32 $1.442695020e+00, v3;
	v12 =	vmul.f32 $1.442695020e+00, v29;
	v3 =	vld [tilespmem:s12+$0x10];
	v4 =	vpop (erf)  }
0x1b8: {  	v18 =	vmul.f32 v26, v1;
	[tilespmem:v6+s26+$0x0] =	vst.idx.add.f32.msk $0xffff, v4;
	v23 =	vmul.f32 v4, v23  }
0x1b9: {  	v29 =	vmul.f32 $1.442695020e+00, v17;
	v36 =	vunpack.i.l.bf16.f32 v20;
	v4 =	vld [tilespmem:s12+$0x0];
	(erf) = vpow2.f32 v16;
	v17 =	vpop (erf)  }
0x1ba: {  	v16 =	vunpack.i.u.bf16.f32 v20;
	v20 =	vmul.f32 v36, v1;
	v37 =	vpop (erf);
	[tilespmem:v6+s4+$0x0] =	vst.idx.add.f32.msk $0xffff, v23;
	v21 =	vmul.f32 v17, v21  }
0x1bb: {  	v18 =	vmul.f32 $1.442695020e+00, v18;
	v23 =	vmul.f32 v37, v30;
	[tilespmem:v6+s5+$0x0] =	vst.idx.add.f32.msk $0xffff, v17  }
0x1bc: {  	v17 =	vmul.f32 $1.442695020e+00, v20;
	v20 =	vunpack.i.u.bf16.f32 v9;
	v30 =	vunpack.i.l.bf16.f32 v9;
	[tilespmem:v28+s1+$0x0] =	vst.idx.add.f32.msk $0xffff, v37  }
0x1bd: {  	v37 =	vmul.f32 v20, v1;
	[tilespmem:v6+s6+$0x0] =	vst.idx.add.f32.msk $0xffff, v21;
	v21 =	vmul.f32 v30, v1;
	v38 =	vpop (erf);
	v6 =	vmov v28  }
0x1be: {  	v9 =	vld [tilespmem:s12+$0xFFFFFFF0];
	(erf) = vpow2.f32 v18;
	v18 =	vmul.f32 v38, v15;
	v15 =	vmov v36  }
0x1bf: {  	(erf) = vpow2.f32 v29;
	v28 =	vpop (erf);
	v21 =	vmul.f32 $1.442695020e+00, v21;
	[tilespmem:v2+s1+$0x0] =	vst.idx.add.f32.msk $0xffff, v38  }
0x1c0: {  	v24 =	vmul.f32 $1.442695020e+00, v24;
	v29 =	vmul.f32 $1.442695020e+00, v37;
	[tilespmem:v3+s1+$0x0] =	vst.idx.add.f32.msk $0xffff, v28  }
0x1c1: {  	s13 =	sadd.s32 $0x40, s13;
	v28 =	vmul.f32 v28, v34;
	(erf) = vpow2.f32 v12;
	[tilespmem:v2+s0+$0x0] =	vst.idx.add.f32.msk $0xffff, v18  }
0x1c2: {  	v34 =	vmul.f32 v16, v1;
	v12 =	vld [tilespmem:s13+$0xFFFFFFF0];
	v36 =	vpop (erf)  }
0x1c3: {  	[tilespmem:v6+s0+$0x0] =	vst.idx.add.f32.msk $0xffff, v23;
	v18 =	vmul.f32 v36, v19;
	(erf) = vpow2.f32 v24  }
0x1c4: {  	v34 =	vmul.f32 $1.442695020e+00, v34;
	[tilespmem:v2+s19+$0x0] =	vst.idx.add.f32.msk $0xffff, v31  }
0x1c5: {  	[tilespmem:v2+s25+$0x0] =	vst.idx.add.f32.msk $0xffff, v35  }
0x1c6: {  	v23 =	vld.idx.msk [tilespmem:v7+s23+$0x0], $0xffff;
	(erf) = vpow2.f32 v21;
	v7 =	vmov v14  }
0x1c7: {  	v14 =	vld [tilespmem:s13+$0x10];
	v19 =	vpop (erf);
	(erf) = vpow2.f32 v33  }
0x1c8: {  	v21 =	vld [tilespmem:s13+$0xFFFFFFE0];
	v24 =	vmul.f32 v19, v26;
	v26 =	vpop (erf)  }
0x1c9: {  	[tilespmem:v3+s0+$0x0] =	vst.idx.add.f32.msk $0xffff, v28  }
0x1ca: {  	[tilespmem:v3+s19+$0x0] =	vst.idx.add.f32.msk $0xffff, v19;
	v28 =	vpop (erf)  }
0x1cb: {  	v31 =	vmul.f32 v26, v32;
	v32 =	vmul.f32 v28, v22;
	[tilespmem:v3+s25+$0x0] =	vst.idx.add.f32.msk $0xffff, v24  }
0x1cc: {  	v24 =	vunpack.i.u.bf16.f32 v23;
	v33 =	vunpack.i.l.bf16.f32 v23;
	v19 =	vld.idx.msk [tilespmem:v11+s23+$0x0], $0xffff;
	v23 =	vpop (erf);
	v11 =	vmov v14  }
0x1cd: {  	[tilespmem:v6+s19+$0x0] =	vst.idx.add.f32.msk $0xffff, v26;
	v26 =	vmul.f32 v33, v1;
	v27 =	vmul.f32 v23, v27  }
0x1ce: {  	[tilespmem:v6+s25+$0x0] =	vst.idx.add.f32.msk $0xffff, v31;
	v31 =	vmul.f32 v24, v1  }
0x1cf: {  	[tilespmem:v9+s1+$0x0] =	vst.idx.add.f32.msk $0xffff, v28;
	v28 =	vmul.f32 $1.442695020e+00, v26;
	v22 =	vpop (erf)  }
0x1d0: {  	v26 =	vld.idx.msk [tilespmem:v14+s3+$0x0], $0xffff;
	v30 =	vmul.f32 v22, v30;
	v31 =	vmul.f32 $1.442695020e+00, v31;
	v35 =	vpop (erf)  }
0x1d1: {  	[tilespmem:v10+s26+$0x0] =	vst.idx.add.f32.msk $0xffff, v22;
	v22 =	vmul.f32 v35, v25;
	(erf) = vpow2.f32 v28  }
0x1d2: {  	v25 =	vld.idx.msk [tilespmem:v21+s3+$0x0], $0xffff  }
0x1d3: {  	v28 =	vld.idx.msk [tilespmem:v13+s23+$0x0], $0xffff;
	(erf) = vpow2.f32 v29;
	v13 =	vmov v21  }
0x1d4: {  	[tilespmem:v5+s26+$0x0] =	vst.idx.add.f32.msk $0xffff, v23  }
0x1d5: {  	v14 =	vld [tilespmem:s13+$0x0];
	(erf) = vpow2.f32 v31  }
0x1d6: {  	[tilespmem:v9+s0+$0x0] =	vst.idx.add.f32.msk $0xffff, v32  }
.Ltmp4:
0x1d7: {  	[tilespmem:v5+s4+$0x0] =	vst.idx.add.f32.msk $0xffff, v27;
	(pc) =	sbr.rel @p1 .LBB2_7-.Ltmp4, $4  }
0x1d8: {  	[tilespmem:v5+s5+$0x0] =	vst.idx.add.f32.msk $0xffff, v35  }
0x1d9: {  	v21 =	vunpack.i.u.bf16.f32 v28;
	v23 =	vunpack.i.l.bf16.f32 v28;
	[tilespmem:v9+s19+$0x0] =	vst.idx.add.f32.msk $0xffff, v36  }
0x1da: {  	v29 =	vmul.f32 v23, v1;
	v28 =	vmul.f32 v21, v1;
	[tilespmem:v10+s4+$0x0] =	vst.idx.add.f32.msk $0xffff, v30;
	v27 =	vpop (erf)  }
0x1db: {  	(erf) = vpow2.f32 v34;
	[tilespmem:v2+s26+$0x0] =	vst.idx.add.f32.msk $0xffff, v27;
	v27 =	vmul.f32 v27, v33  }
0x1dc: {  	_ =	sdelay $0x3  }
0x1dd: {  	v30 =	vunpack.i.l.bf16.f32 v25;
	v31 =	vld.idx.msk [tilespmem:v12+s3+$0x0], $0xffff  }
0x1de: {  	v29 =	vmul.f32 $1.442695020e+00, v29;
	v32 =	vmul.f32 v30, v1  }
0x1df: {  	v28 =	vmul.f32 $1.442695020e+00, v28  }
0x1e0: {  	(erf) = vpow2.f32 v29;
	v49 =	vmul.f32 $1.442695020e+00, v32  }
0x1e1: {  	v32 =	vunpack.i.l.bf16.f32 v26;
	(erf) = vpow2.f32 v28  }
0x1e2: {  	v50 =	vmul.f32 v32, v1;
	(erf) = vpow2.f32 v49;
	v29 =	vunpack.i.u.bf16.f32 v31  }
0x1e3: {  	v26 =	vunpack.i.u.bf16.f32 v26;
	v34 =	vmul.f32 v29, v1;
	(erf) = vpow2.f32 v17  }
0x1e4: {  	s12 =	sadd.s32 $0x40, s12;
	v51 =	vunpack.i.u.bf16.f32 v25;
	v35 =	vmul.f32 v26, v1;
	v28 =	vmul.f32 $1.442695020e+00, v50  }
0x1e5: {  	v36 =	vmul.f32 v51, v1;
	v17 =	vld [tilespmem:s12+$0xFFFFFFE0];
	v34 =	vmul.f32 $1.442695020e+00, v34  }
0x1e6: {  	v33 =	vpop (erf);
	v52 =	vmul.f32 $1.442695020e+00, v35;
	(erf) = vpow2.f32 v28  }
0x1e7: {  	v56 =	vld.idx.msk [tilespmem:v14+s3+$0x0], $0xffff;
	v53 =	vpop (erf);
	v36 =	vmul.f32 $1.442695020e+00, v36;
	(erf) = vpow2.f32 v34  }
0x1e8: {  	[tilespmem:v9+s25+$0x0] =	vst.idx.add.f32.msk $0xffff, v18;
	v54 =	vpop (erf);
	(erf) = vpow2.f32 v52  }
0x1e9: {  	[tilespmem:v5+s6+$0x0] =	vst.idx.add.f32.msk $0xffff, v22;
	v55 =	vpop (erf);
	(erf) = vpow2.f32 v36  }
0x1ea: {  	v20 =	vmul.f32 v33, v20;
	[tilespmem:v10+s5+$0x0] =	vst.idx.add.f32.msk $0xffff, v33;
	v28 =	vpop (erf)  }
0x1eb: {  	v58 =	vld.idx.msk [tilespmem:v8+s23+$0x0], $0xffff;
	v57 =	vpop (erf)  }
0x1ec: {  	[tilespmem:v10+s6+$0x0] =	vst.idx.add.f32.msk $0xffff, v20;
	v59 =	vpop (erf)  }
0x1ed: {  	v8 =	vunpack.i.u.bf16.f32 v19;
	v19 =	vunpack.i.l.bf16.f32 v19;
	[tilespmem:v17+s1+$0x0] =	vst.idx.add.f32.msk $0xffff, v57;
	v15 =	vmul.f32 v59, v15  }
0x1ee: {  	v37 =	vmul.f32 v8, v1;
	v61 =	vmul.f32 v19, v1;
	[tilespmem:v4+s1+$0x0] =	vst.idx.add.f32.msk $0xffff, v59  }
0x1ef: {  	v24 =	vmul.f32 v53, v24;
	v31 =	vunpack.i.l.bf16.f32 v31;
	v16 =	vmul.f32 v54, v16;
	v38 =	vpop (erf);
	[tilespmem:v4+s0+$0x0] =	vst.idx.add.f32.msk $0xffff, v15  }
0x1f0: {  	v37 =	vmul.f32 $1.442695020e+00, v37;
	v20 =	vunpack.i.u.bf16.f32 v56;
	v60 =	vmul.f32 v31, v1;
	v39 =	vpop (erf);
	[tilespmem:v4+s19+$0x0] =	vst.idx.add.f32.msk $0xffff, v54  }
0x1f1: {  	v44 =	vunpack.i.l.bf16.f32 v56;
	v50 =	vmul.f32 v20, v1;
	v18 =	vmul.f32 v57, v30;
	[tilespmem:v4+s25+$0x0] =	vst.idx.add.f32.msk $0xffff, v16;
	v63 =	vpop (erf)  }
0x1f2: {  	v46 =	vmul.f32 v44, v1;
	v62 =	vmul.f32 $1.442695020e+00, v60;
	v7 =	vld.idx.msk [tilespmem:v7+s23+$0x0], $0xffff;
	v40 =	vpop (erf)  }
0x1f3: {  	v5 =	vmul.f32 $1.442695020e+00, v50;
	v34 =	vunpack.i.u.bf16.f32 v58;
	[tilespmem:v17+s0+$0x0] =	vst.idx.add.f32.msk $0xffff, v18;
	v45 =	vmul.f32 v40, v51  }
0x1f4: {  	v47 =	vmul.f32 v34, v1;
	v23 =	vmul.f32 v55, v23;
	v36 =	vunpack.i.l.bf16.f32 v58;
	[tilespmem:v17+s19+$0x0] =	vst.idx.add.f32.msk $0xffff, v40  }
0x1f5: {  	v41 =	vmul.f32 v36, v1;
	v15 =	vmul.f32 $1.442695020e+00, v61;
	[tilespmem:v17+s25+$0x0] =	vst.idx.add.f32.msk $0xffff, v45  }
0x1f6: {  	v48 =	vmul.f32 v28, v21;
	(erf) = vpow2.f32 v62;
	v13 =	vld.idx.msk [tilespmem:v13+s23+$0x0], $0xffff  }
0x1f7: {  	[tilespmem:v2+s4+$0x0] =	vst.idx.add.f32.msk $0xffff, v27;
	v49 =	vmul.f32 $1.442695020e+00, v41;
	(erf) = vpow2.f32 v15;
	v51 =	vunpack.i.l.bf16.f32 v7  }
0x1f8: {  	v27 =	vld [tilespmem:s12+$0x10];
	v57 =	vmul.f32 $1.442695020e+00, v46;
	v7 =	vunpack.i.u.bf16.f32 v7;
	v52 =	vmul.f32 v51, v1  }
0x1f9: {  	[tilespmem:v2+s5+$0x0] =	vst.idx.add.f32.msk $0xffff, v53;
	(erf) = vpow2.f32 v49;
	v53 =	vmul.f32 v7, v1  }
0x1fa: {  	[tilespmem:v2+s6+$0x0] =	vst.idx.add.f32.msk $0xffff, v24;
	v40 =	vmul.f32 $1.442695020e+00, v47;
	v15 =	vmul.f32 $1.442695020e+00, v52  }
0x1fb: {  	[tilespmem:v6+s26+$0x0] =	vst.idx.add.f32.msk $0xffff, v55;
	(erf) = vpow2.f32 v37;
	v2 =	vmul.f32 $1.442695020e+00, v53;
	v21 =	vunpack.i.l.bf16.f32 v13  }
0x1fc: {  	[tilespmem:v6+s4+$0x0] =	vst.idx.add.f32.msk $0xffff, v23;
	v10 =	vunpack.i.u.bf16.f32 v13;
	(erf) = vpow2.f32 v15;
	v54 =	vmul.f32 v21, v1  }
0x1fd: {  	[tilespmem:v6+s5+$0x0] =	vst.idx.add.f32.msk $0xffff, v28;
	v55 =	vmul.f32 v10, v1;
	(erf) = vpow2.f32 v40  }
0x1fe: {  	v13 =	vld [tilespmem:s12+$0xFFFFFFF0];
	(erf) = vpow2.f32 v2;
	v2 =	vmul.f32 $1.442695020e+00, v54  }
0x1ff: {  	[tilespmem:v6+s6+$0x0] =	vst.idx.add.f32.msk $0xffff, v48;
	v58 =	vpop (erf);
	v56 =	vmul.f32 $1.442695020e+00, v55;
	(erf) = vpow2.f32 v5  }
0x200: {  	[tilespmem:v27+s1+$0x0] =	vst.idx.add.f32.msk $0xffff, v38;
	v59 =	vpop (erf);
	(erf) = vpow2.f32 v2;
	v2 =	vmul.f32 v38, v32  }
0x201: {  	[tilespmem:v3+s26+$0x0] =	vst.idx.add.f32.msk $0xffff, v59;
	(erf) = vpow2.f32 v56  }
0x202: {  	v60 =	vpop (erf);
	v15 =	vld [tilespmem:s12+$0x0];
	(erf) = vpow2.f32 v57  }
0x203: {  	[tilespmem:v9+s26+$0x0] =	vst.idx.add.f32.msk $0xffff, v60  }
0x204: {  	[tilespmem:v27+s0+$0x0] =	vst.idx.add.f32.msk $0xffff, v2;
	v2 =	vpop (erf)  }
0x205: {  	v61 =	vmul.f32 v63, v26;
	[tilespmem:v27+s19+$0x0] =	vst.idx.add.f32.msk $0xffff, v63;
	v62 =	vpop (erf)  }
0x206: {  	v31 =	vmul.f32 v58, v31;
	[tilespmem:v13+s1+$0x0] =	vst.idx.add.f32.msk $0xffff, v58;
	v63 =	vpop (erf)  }
0x207: {  	[tilespmem:v27+s25+$0x0] =	vst.idx.add.f32.msk $0xffff, v61;
	v32 =	vpop (erf)  }
0x208: {  	[tilespmem:v13+s0+$0x0] =	vst.idx.add.f32.msk $0xffff, v31;
	v33 =	vpop (erf)  }
0x209: {  	v35 =	vmul.f32 v39, v29;
	v11 =	vld.idx.msk [tilespmem:v11+s23+$0x0], $0xffff;
	v37 =	vpop (erf)  }
0x20a: {  	[tilespmem:v13+s19+$0x0] =	vst.idx.add.f32.msk $0xffff, v39;
	v38 =	vpop (erf)  }
0x20b: {  	[tilespmem:v13+s25+$0x0] =	vst.idx.add.f32.msk $0xffff, v35;
	v39 =	vpop (erf)  }
0x20c: {  	v40 =	vld.idx.msk [tilespmem:v12+s23+$0x0], $0xffff;
	v41 =	vmul.f32 v39, v44  }
0x20d: {  	[tilespmem:v15+s1+$0x0] =	vst.idx.add.f32.msk $0xffff, v39  }
0x20e: {  	v20 =	vmul.f32 v33, v20;
	[tilespmem:v15+s0+$0x0] =	vst.idx.add.f32.msk $0xffff, v41  }
0x20f: {  	v42 =	vunpack.i.l.bf16.f32 v11;
	[tilespmem:v15+s19+$0x0] =	vst.idx.add.f32.msk $0xffff, v33  }
0x210: {  	v19 =	vmul.f32 v59, v19;
	v44 =	vmul.f32 v42, v1;
	[tilespmem:v15+s25+$0x0] =	vst.idx.add.f32.msk $0xffff, v20  }
0x211: {  	v43 =	vld.idx.msk [tilespmem:v14+s23+$0x0], $0xffff  }
0x212: {  	v18 =	vmul.f32 v60, v36;
	[tilespmem:v3+s4+$0x0] =	vst.idx.add.f32.msk $0xffff, v19;
	v5 =	vmul.f32 $1.442695020e+00, v44  }
0x213: {  	[tilespmem:v3+s5+$0x0] =	vst.idx.add.f32.msk $0xffff, v2;
	v2 =	vmul.f32 v2, v8;
	v22 =	vmul.f32 v62, v51;
	v45 =	vunpack.i.l.bf16.f32 v40  }
0x214: {  	[tilespmem:v9+s4+$0x0] =	vst.idx.add.f32.msk $0xffff, v18;
	v11 =	vunpack.i.u.bf16.f32 v11;
	v46 =	vmul.f32 v45, v1;
	(erf) = vpow2.f32 v5  }
0x215: {  	[tilespmem:v4+s26+$0x0] =	vst.idx.add.f32.msk $0xffff, v62;
	v47 =	vmul.f32 v63, v34;
	v48 =	vmul.f32 v11, v1  }
0x216: {  	[tilespmem:v9+s5+$0x0] =	vst.idx.add.f32.msk $0xffff, v63;
	v7 =	vmul.f32 v32, v7;
	v19 =	vmul.f32 $1.442695020e+00, v46;
	v49 =	vunpack.i.l.bf16.f32 v43  }
0x217: {  	[tilespmem:v3+s6+$0x0] =	vst.idx.add.f32.msk $0xffff, v2;
	v12 =	vunpack.i.u.bf16.f32 v40;
	v51 =	vmul.f32 $1.442695020e+00, v48;
	v50 =	vmul.f32 v49, v1  }
0x218: {  	[tilespmem:v4+s4+$0x0] =	vst.idx.add.f32.msk $0xffff, v22;
	v52 =	vmul.f32 v12, v1;
	(erf) = vpow2.f32 v19  }
0x219: {  	[tilespmem:v9+s6+$0x0] =	vst.idx.add.f32.msk $0xffff, v47;
	(erf) = vpow2.f32 v51;
	v53 =	vmul.f32 $1.442695020e+00, v50  }
0x21a: {  	[tilespmem:v4+s5+$0x0] =	vst.idx.add.f32.msk $0xffff, v32;
	v54 =	vmul.f32 v37, v21;
	v2 =	vmul.f32 $1.442695020e+00, v52;
	v3 =	vunpack.i.u.bf16.f32 v43  }
0x21b: {  	[tilespmem:v4+s6+$0x0] =	vst.idx.add.f32.msk $0xffff, v7;
	v55 =	vmul.f32 v3, v1;
	(erf) = vpow2.f32 v53  }
0x21c: {  	[tilespmem:v17+s26+$0x0] =	vst.idx.add.f32.msk $0xffff, v37;
	(erf) = vpow2.f32 v2  }
0x21d: {  	[tilespmem:v17+s4+$0x0] =	vst.idx.add.f32.msk $0xffff, v54;
	v56 =	vmul.f32 $1.442695020e+00, v55;
	v57 =	vpop (erf);
	v2 =	vmul.f32 v38, v10  }
0x21e: {  	[tilespmem:v17+s5+$0x0] =	vst.idx.add.f32.msk $0xffff, v38;
	v58 =	vmul.f32 v57, v42  }
0x21f: {  	[tilespmem:v27+s26+$0x0] =	vst.idx.add.f32.msk $0xffff, v57;
	(erf) = vpow2.f32 v56  }
0x220: {  	[tilespmem:v27+s4+$0x0] =	vst.idx.add.f32.msk $0xffff, v58  }
0x221: {  	[tilespmem:v17+s6+$0x0] =	vst.idx.add.f32.msk $0xffff, v2;
	v2 =	vpop (erf)  }
0x222: {  	[tilespmem:v13+s26+$0x0] =	vst.idx.add.f32.msk $0xffff, v2;
	v2 =	vmul.f32 v2, v45;
	v59 =	vpop (erf)  }
0x223: {  	[tilespmem:v27+s5+$0x0] =	vst.idx.add.f32.msk $0xffff, v59  }
0x224: {  	[tilespmem:v13+s4+$0x0] =	vst.idx.add.f32.msk $0xffff, v2;
	v60 =	vpop (erf)  }
0x225: {  	v2 =	vmul.f32 v60, v49;
	[tilespmem:v15+s26+$0x0] =	vst.idx.add.f32.msk $0xffff, v60;
	v61 =	vpop (erf)  }
0x226: {  	v62 =	vmul.f32 v61, v12;
	[tilespmem:v13+s5+$0x0] =	vst.idx.add.f32.msk $0xffff, v61  }
.Ltmp5:
0x227: {  	[tilespmem:v15+s4+$0x0] =	vst.idx.add.f32.msk $0xffff, v2;
	(pc) =	sbr.rel @p0 .LBB2_10-.Ltmp5, $4  }
0x228: {  	v63 =	vpop (erf);
	v2 =	vmul.f32 v59, v11;
	[tilespmem:v13+s6+$0x0] =	vst.idx.add.f32.msk $0xffff, v62  }
0x229: {  	v3 =	vmul.f32 v63, v3;
	[tilespmem:v15+s5+$0x0] =	vst.idx.add.f32.msk $0xffff, v63  }
0x22a: {  	[tilespmem:v27+s6+$0x0] =	vst.idx.add.f32.msk $0xffff, v2  }
0x22b: {  	[tilespmem:v15+s6+$0x0] =	vst.idx.add.f32.msk $0xffff, v3  }
0x22c: {  	s12 =	smul.u32 $0x3200, s11;
	_ =	sdelay $0x1  }
0x22d: {  	s12 =	sshrl.u32 s12, $0x3  }
.Ltmp6:
0x22e: {  	s12 =	sadd.s32 $0x960, s12;
	(pc) =	sbr.rel .LBB2_4-.Ltmp6, $4  }
0x22f: {  	s13 =	sadd.s32 s2, s12  }
0x230: {  	[tilespmem:s28], [sflag:$0x3] =	stream.strided.gather [hbm4b:s13+s21], $0xC80, s24, s21, $0x38;
	[tilespmem:$0x1BD80] =	vst v63  }
0x231: {  	s11 =	sadd.s32 $0x1, s11;
	s12 =	sadd.s32 s12, s7  }
0x232: {  	[tilespmem:s29], [sflag:$0x4] =	stream.strided.gather [hbm4b:s12+s21], $0xC80, s24, s21, $0x38;
	[tilespmem:$0x1BD80] =	vst v63  }
.LBB2_11:
0x233: {  	_ =	sfence.sel $0x180000  }
0x234: {  	[bflag:$0x0] =	sbarrier.arrive $0xFFFF  }
0x235: {  	_ =	strace $0x90000047  }
0x236: {  	s0 =	stileid.u32;
	[bflag:$0x2] =	sbarrier.arrive $0xFFFF  }
0x237: {  	p0 =	sne.s32 s0, $0x0;
	s0 =	rddreg [dreg:$0x3]  }
0x238: {  	s0 =	sadd.s32 @!p0 $0x100000, s0  }
0x239: {  	[sflag:s0] =	ssyncadd.tile.s32 @!p0 $0x1;
	_ =	shalt  }
.Lfunc_end2:
_tile_overlayer_lowered:
.L_overlay_start_2:
0x23a: {  	(tag) =	ssettag $0x2  }
0x23b: {  	s0 =	rddreg [dreg:$0x0];
	s2 =	stileid.u32  }
0x23c: {  	s1 =	rddreg [dreg:$0x1];
	p0 =	sne.s32 s2, $0x0  }
0x23d: {  	s3 =	rddreg [dreg:$0x2];
	[bflag:$0x3] =	sbarrier.arrive $0xFFFF;
	s2 =	simm.s32 @!p0 $0x1C05  }
0x23e: {  	[timem:s3], [sflag:s2] =	dma.local @!p0 [hbm:s0], s1  }
0x23f: {  	s0 =	simm.s32 @!p0 $0x5  }
0x240: {  	_ =	swait.ge @!p0 [sflag:s0], s1  }
0x241: {  	s1 =	ssub.s32 @!p0 $0x0, s1;
	[sflag:s0] =	ssyncset.done @!p0 $0x0  }
0x242: {  	[sflag:s0] =	ssyncadd.s32 @!p0 s1  }
0x243: {  	[bflag:$0x3] =	sbarrier.arrive $0xFFFF  }
0x244: {  	_ =	shalt  }

</sc_bundles>
